<compile_context>
chip_gen: v7x
topology: tpu7x:2x2x1
jax: 0.10.2.dev20260603
libtpu: 0.0.44.dev20260713+nightly
codegen_flags: <defaults>
</compile_context>

<pallas_src>
import functools

import jax
import jax.numpy as jnp
from jax import lax
from jax.experimental import pallas as pl
from jax.experimental.pallas import tpu as pltpu
from jax.experimental.pallas import tpu_sc as plsc

NUM_ITEMS = 100000
N = NUM_ITEMS + 1
NW = 16
LSUB = 16
SUBW = 392
CHUNK = LSUB * SUBW
NPAD = NW * CHUNK
TOK = 1024 * 200
TOKW = TOK // NW
Q = 1024 * 100
QW = Q // NW
B = 1024
NVB = B // LSUB
NR = 32
SUBR = CHUNK // NR
HALF = LSUB * SUBR
HB = LSUB * B

_mesh = plsc.VectorSubcoreMesh(
    core_axis_name="c", subcore_axis_name="s", num_cores=1)


@functools.partial(
    pl.kernel,
    out_type=jax.ShapeDtypeStruct((Q,), jnp.float32),
    mesh=_mesh,
    compiler_params=pltpu.CompilerParams(needs_layout_passes=False),
    scratch_types=dict(
        countsT=pltpu.VMEM_SHARED((NPAD,), jnp.int32),
        wtab=pltpu.VMEM_SHARED((NW * B,), jnp.int32),
        recipT=pltpu.VMEM_SHARED((NPAD,), jnp.float32),
        tokbuf=pltpu.VMEM((TOKW,), jnp.int32),
        onesb=pltpu.VMEM((TOKW,), jnp.int32),
        counts_c=pltpu.VMEM((CHUNK,), jnp.int32),
        tie_c=pltpu.VMEM((CHUNK,), jnp.int32),
        recip_c=pltpu.VMEM((CHUNK,), jnp.float32),
        hist2d=pltpu.VMEM((NR * B,), jnp.int32),
        tmpB=pltpu.VMEM((B,), jnp.int32),
        psw=pltpu.VMEM((B,), jnp.int32),
        htot=pltpu.VMEM((B,), jnp.int32),
        glb=pltpu.VMEM((B,), jnp.int32),
        wall=pltpu.VMEM((NW * B,), jnp.int32),
        qidx=pltpu.VMEM((QW,), jnp.int32),
        qout=pltpu.VMEM((QW,), jnp.float32),
        gsem=pltpu.SemaphoreType.DMA,
        tsem=pltpu.SemaphoreType.DMA,
    ),
)
def _pop_kernel(tok_hbm, q_hbm, out_hbm, *, countsT, wtab, recipT, tokbuf,
                onesb, counts_c, tie_c, recip_c, hist2d, tmpB, psw, htot,
                glb, wall, qidx, qout, gsem, tsem):
    w = lax.axis_index("s")
    lane = jnp.arange(LSUB, dtype=jnp.int32)
    zeros16 = jnp.zeros((LSUB,), jnp.int32)
    ones16 = jnp.ones((LSUB,), jnp.int32)
    lane_mul = lane * SUBW
    lane_B = lane * B

    tok_dma = pltpu.async_copy(tok_hbm.at[pl.ds(w * TOKW, TOKW)], tokbuf,
                               tsem)
    q_dma = pltpu.async_copy(q_hbm.at[pl.ds(w * QW, QW)], qidx, gsem)

    def _fill(ref, n, val):
        @plsc.parallel_loop(0, n // LSUB, unroll=8)
        def body(v):
            ref[pl.ds(v * LSUB, LSUB)] = val

    _fill(hist2d, NR * B, zeros16)
    _fill(onesb, TOKW, ones16)
    pltpu.sync_copy(hist2d.at[pl.ds(0, CHUNK)],
                    countsT.at[pl.ds(w * CHUNK, CHUNK)])
    plsc.subcore_barrier()

    tok_dma.wait()
    pltpu.sync_copy(onesb, countsT.at[tokbuf], add=True)
    plsc.subcore_barrier()

    pltpu.sync_copy(countsT.at[pl.ds(w * CHUNK, CHUNK)], counts_c)

    lane_r = lane * SUBR
    c0a = plsc.load_gather(counts_c, [lane_r])
    c0b = plsc.load_gather(counts_c, [lane_r + HALF])

    def tie_body(t, carry):
        ca, cb, mx = carry
        tn = jnp.minimum(t + 1, SUBR - 1)
        ca_n = plsc.load_gather(counts_c, [lane_r + tn])
        cb_n = plsc.load_gather(counts_c, [lane_r + (HALF + tn)])
        cla = jnp.minimum(ca, B - 1)
        clb = jnp.minimum(cb, B - 1)
        ha = lane_B + cla
        hb = lane_B + (HB + clb)
        ta = plsc.load_gather(hist2d, [ha])
        tb = plsc.load_gather(hist2d, [hb])
        plsc.store_scatter(tie_c, [lane_r + t], ta * B + cla)
        plsc.store_scatter(tie_c, [lane_r + (HALF + t)], tb * B + clb)
        plsc.addupdate_scatter(hist2d, [ha], ones16, mask=ca < B)
        plsc.addupdate_scatter(hist2d, [hb], ones16, mask=cb < B)
        return ca_n, cb_n, jnp.maximum(mx, jnp.maximum(ca, cb))
    _, _, maxv = lax.fori_loop(0, SUBR, tie_body, (c0a, c0b, zeros16))
    maxc = jnp.max(maxv)

    @plsc.parallel_loop(0, NVB, unroll=2)
    def wsum_body(v):
        s = zeros16
        for l in range(NR):
            sl = hist2d[pl.ds(l * B + v * LSUB, LSUB)]
            hist2d[pl.ds(l * B + v * LSUB, LSUB)] = s
            s = s + sl
        tmpB[pl.ds(v * LSUB, LSUB)] = s
    pltpu.sync_copy(tmpB, wtab.at[pl.ds(w * B, B)])
    plsc.subcore_barrier()

    pltpu.sync_copy(wtab, wall)

    @plsc.parallel_loop(0, NVB, unroll=2)
    def wpre_body(v):
        sl = pl.ds(v * LSUB, LSUB)
        ht = zeros16
        ps = zeros16
        for j in range(NW):
            row = wall[pl.ds(j * B + v * LSUB, LSUB)]
            ht = ht + row
            ps = ps + jnp.where(j < w, row, 0)
        htot[sl] = ht
        psw[sl] = ps

    @plsc.parallel_loop(0, NVB, carry=jnp.int32(0))
    def g_body(v, carry):
        sl = pl.ds(v * LSUB, LSUB)
        vals = htot[sl]
        glb[sl] = (NPAD + 1) - (plsc.cumsum(vals) + carry) + psw[sl]
        return carry + jnp.sum(vals)

    @plsc.parallel_loop(0, SUBR, unroll=4)
    def rank_body(t):
        for half, hoff in ((0, 0), (HALF, HB)):
            idxs = lane_r + (half + t)
            combo = plsc.load_gather(tie_c, [idxs])
            cl = combo & (B - 1)
            tie = lax.shift_right_logical(combo, 10)
            g = plsc.load_gather(glb, [cl])
            ps2 = plsc.load_gather(hist2d, [lane_B + (hoff + cl)])
            rank = g + ps2 + tie
            plsc.store_scatter(recip_c, [idxs],
                               1.0 / rank.astype(jnp.float32))

    @pl.when(maxc >= B)
    def _heavy_fixup():
        def t_body(t, _):
            idxs = lane_mul + t
            c = plsc.load_gather(counts_c, [idxs])
            nh = jnp.sum((c >= B).astype(jnp.int32))

            @pl.when(nh > 0)
            def _():
                def k_body(k, _):
                    ck = jnp.sum(jnp.where(lane == k, c, 0))

                    @pl.when(ck >= B)
                    def _():
                        gi = w * CHUNK + k * SUBW + t

                        def outer(sw, acc):
                            pltpu.sync_copy(
                                countsT.at[pl.ds(sw * CHUNK, CHUNK)], tie_c)

                            def inner(v, a):
                                cv = tie_c[pl.ds(v * LSUB, LSUB)]
                                gidx = sw * CHUNK + v * LSUB + lane
                                m_gt = cv > ck
                                m_tie = (cv == ck) & (gidx < gi)
                                return (a + jnp.sum(m_gt.astype(jnp.int32))
                                        + jnp.sum(m_tie.astype(jnp.int32)))
                            return lax.fori_loop(0, SUBW, inner, acc)
                        nge = lax.fori_loop(0, NW, outer, jnp.int32(0))
                        rank = (1 + nge).astype(jnp.float32)
                        pos = k * SUBW + t
                        plsc.store_scatter(recip_c, [lane * 0 + pos],
                                           jnp.full((LSUB,), 1.0,
                                                    jnp.float32) / rank,
                                           mask=lane == 0)
                    return 0
                lax.fori_loop(0, LSUB, k_body, 0)
            return 0
        lax.fori_loop(0, SUBW, t_body, 0)

    pltpu.sync_copy(recip_c, recipT.at[pl.ds(w * CHUNK, CHUNK)])
    plsc.subcore_barrier()

    q_dma.wait()
    h = QW // 2
    g1 = pltpu.async_copy(recipT.at[qidx.at[pl.ds(0, h)]],
                          qout.at[pl.ds(0, h)], gsem)
    g2 = pltpu.async_copy(recipT.at[qidx.at[pl.ds(h, h)]],
                          qout.at[pl.ds(h, h)], tsem)
    g1.wait()
    g2.wait()
    pltpu.sync_copy(qout, out_hbm.at[pl.ds(w * QW, QW)])


@jax.jit
def kernel(input_seqs, poss_item_seqs):
    scores = _pop_kernel(input_seqs.reshape(-1), poss_item_seqs.reshape(-1))
    return scores.reshape(poss_item_seqs.shape)

# --- scband reference (transcript-rebuilt; emitter-appended) ---
"""Pipeline reference for scband-pop-22668837388598 (READ-ONLY COPY).

The authoritative reference and input builder live on the scoring server;
editing this copy changes nothing except your own understanding.
"""

import jax, jax.numpy as jnp
import numpy as np

NUM_ITEMS = 100000
BATCH = 1024
HIST_LEN = 200
N_CAND = 100


def setup_inputs(seed: int = 0) -> dict:
    key = jax.random.key(seed)
    k1, k2 = jax.random.split(key)
    input_seqs = jax.random.randint(k1, (BATCH, HIST_LEN), 0, NUM_ITEMS, dtype=jnp.int32)
    poss_item_seqs = jax.random.randint(k2, (BATCH, N_CAND), 0, NUM_ITEMS, dtype=jnp.int32)
    return {"input_seqs": input_seqs, "poss_item_seqs": poss_item_seqs}


def reference(input_seqs, poss_item_seqs):
    # item_counts = torch.bincount(input_seqs.flatten(), minlength=num_items+1).float()
    item_counts = jnp.bincount(
        input_seqs.flatten(), minlength=NUM_ITEMS + 1, length=NUM_ITEMS + 1
    ).astype(jnp.float32)
    # sorted_items = torch.argsort(item_counts, descending=True)
    sorted_items = jnp.argsort(-item_counts)
    # rank of item = position of item in sorted_items + 1 (vectorized inverse permutation
    # of the original per-element loop: rank = (sorted_items == item).nonzero() + 1)
    ranks = jnp.zeros(NUM_ITEMS + 1, dtype=jnp.float32).at[sorted_items].set(
        jnp.arange(1, NUM_ITEMS + 2, dtype=jnp.float32)
    )
    # scores[i, j] = 1 / rank(poss_item_seqs[i, j])
    scores = 1.0 / ranks[poss_item_seqs]
    return scores

if __name__ == "__main__":
    import jax
    _d = setup_inputs()
    print(jax.jit(kernel)(*tuple(_d.values())))

</pallas_src>

<mosaic_0001>
#map = affine_map<(d0, d1) -> (0)>
module attributes {stable_mosaic.version = 14 : i64} {
  func.func @_pop_kernel(%arg0: i32, %arg1: i32, %arg2: memref<204800xi32, #tpu.memory_space<hbm>>, %arg3: memref<102400xi32, #tpu.memory_space<hbm>>, %arg4: memref<102400xf32, #tpu.memory_space<hbm>>, %arg5: memref<100352xi32, #tpu.memory_space<vmem_shared>>, %arg6: memref<6272xi32, #tpu.memory_space<vmem>>, %arg7: memref<1024xi32, #tpu.memory_space<vmem>>, %arg8: memref<!tpu.dma_semaphore, #tpu.memory_space<semaphore_mem>>, %arg9: memref<32768xi32, #tpu.memory_space<vmem>>, %arg10: memref<1024xi32, #tpu.memory_space<vmem>>, %arg11: memref<12800xi32, #tpu.memory_space<vmem>>, %arg12: memref<1024xi32, #tpu.memory_space<vmem>>, %arg13: memref<6400xi32, #tpu.memory_space<vmem>>, %arg14: memref<6400xf32, #tpu.memory_space<vmem>>, %arg15: memref<100352xf32, #tpu.memory_space<vmem_shared>>, %arg16: memref<6272xf32, #tpu.memory_space<vmem>>, %arg17: memref<6272xi32, #tpu.memory_space<vmem>>, %arg18: memref<1024xi32, #tpu.memory_space<vmem>>, %arg19: memref<12800xi32, #tpu.memory_space<vmem>>, %arg20: memref<!tpu.dma_semaphore, #tpu.memory_space<semaphore_mem>>, %arg21: memref<16384xi32, #tpu.memory_space<vmem>>, %arg22: memref<16384xi32, #tpu.memory_space<vmem_shared>>) attributes {dimension_semantics = [#tpu.dimension_semantics<core_parallel>, #tpu.dimension_semantics<subcore_parallel>], iteration_bounds = array<i64: 1, 16>, scalar_prefetch = 0 : i64, scratch_operands = 18 : i64, tpu.core_type = #tpu.core_type<sc_vector_subcore>, window_params = [{transform_indices = #map}, {transform_indices = #map}, {transform_indices = #map}]} {
    %iota3A = tpu.iota {dimensions = array<i32: 0>} : vector<16xi32>
    %broadcast_in_dim3A = arith.constant 0 : i32
    %broadcast_in_dim3A_0 = vector.broadcast %broadcast_in_dim3A : i32 to vector<16xi32>
    %broadcast_in_dim3A_1 = arith.constant 1 : i32
    %broadcast_in_dim3A_2 = vector.broadcast %broadcast_in_dim3A_1 : i32 to vector<16xi32>
    %mul3A = arith.constant 392 : i32
    %mul3A_3 = vector.broadcast %mul3A : i32 to vector<16xi32>
    %mul3A_4 = arith.muli %iota3A, %mul3A_3 : vector<16xi32>
    %mul3A_5 = arith.constant 1024 : i32
    %mul3A_6 = vector.broadcast %mul3A_5 : i32 to vector<16xi32>
    %mul3A_7 = arith.muli %iota3A, %mul3A_6 : vector<16xi32>
    %mul3A_8 = arith.constant 12800 : i32
    %mul3A_9 = arith.muli %arg1, %mul3A_8 : i32
    %dma_start3A = tpu.memref_slice %arg2[%mul3A_9] : memref<204800xi32, #tpu.memory_space<hbm>> -> memref<12800xi32, #tpu.memory_space<hbm>>
    %dma_start3A_10 = tpu.memref_slice %arg2[%mul3A_9] : memref<204800xi32, #tpu.memory_space<hbm>> -> memref<12800xi32, #tpu.memory_space<hbm>>
    tpu.enqueue_dma source(%dma_start3A_10 : memref<12800xi32, #tpu.memory_space<hbm>>) target(%arg19 : memref<12800xi32, #tpu.memory_space<vmem>>) target_semaphore(%arg20 : memref<!tpu.dma_semaphore, #tpu.memory_space<semaphore_mem>>)
    %mul3A_11 = arith.constant 6400 : i32
    %mul3A_12 = arith.muli %arg1, %mul3A_11 : i32
    %dma_start3A_13 = tpu.memref_slice %arg3[%mul3A_12] : memref<102400xi32, #tpu.memory_space<hbm>> -> memref<6400xi32, #tpu.memory_space<hbm>>
    %dma_start3A_14 = tpu.memref_slice %arg3[%mul3A_12] : memref<102400xi32, #tpu.memory_space<hbm>> -> memref<6400xi32, #tpu.memory_space<hbm>>
    tpu.enqueue_dma source(%dma_start3A_14 : memref<6400xi32, #tpu.memory_space<hbm>>) target(%arg13 : memref<6400xi32, #tpu.memory_space<vmem>>) target_semaphore(%arg8 : memref<!tpu.dma_semaphore, #tpu.memory_space<semaphore_mem>>)
    %parallel_loop3A = arith.constant 0 : i32
    %parallel_loop3A_15 = arith.constant 2048 : i32
    %parallel_loop3A_16 = arith.constant 1 : i32
    scf.for %parallel_loop3A_94 = %parallel_loop3A to %parallel_loop3A_15 step %parallel_loop3A_16  : i32 {
      %parallel_loop3A_95 = arith.constant 16 : i32
      %parallel_loop3A_96 = arith.muli %parallel_loop3A_94, %parallel_loop3A_95 : i32
      %parallel_loop3A_97 = arith.index_cast %parallel_loop3A_96 : i32 to index
      %parallel_loop3A_98 = tpu.vector_load %arg9[%parallel_loop3A_97] {strides = array<i32>} : memref<32768xi32, #tpu.memory_space<vmem>>, vector<16xi32>,
      tpu.vector_store %arg9[%parallel_loop3A_97], %broadcast_in_dim3A_0 {strides = array<i32>} : memref<32768xi32, #tpu.memory_space<vmem>>, vector<16xi32>,
    } {sc.loop_unroll_factor = 8 : i64, sc.parallel_access}
    %parallel_loop3A_17 = arith.constant 0 : i32
    %parallel_loop3A_18 = arith.constant 800 : i32
    %parallel_loop3A_19 = arith.constant 1 : i32
    scf.for %parallel_loop3A_94 = %parallel_loop3A_17 to %parallel_loop3A_18 step %parallel_loop3A_19  : i32 {
      %parallel_loop3A_95 = arith.constant 16 : i32
      %parallel_loop3A_96 = arith.muli %parallel_loop3A_94, %parallel_loop3A_95 : i32
      %parallel_loop3A_97 = arith.index_cast %parallel_loop3A_96 : i32 to index
      %parallel_loop3A_98 = tpu.vector_load %arg11[%parallel_loop3A_97] {strides = array<i32>} : memref<12800xi32, #tpu.memory_space<vmem>>, vector<16xi32>,
      tpu.vector_store %arg11[%parallel_loop3A_97], %broadcast_in_dim3A_2 {strides = array<i32>} : memref<12800xi32, #tpu.memory_space<vmem>>, vector<16xi32>,
    } {sc.loop_unroll_factor = 8 : i64, sc.parallel_access}
    %mul3A_20 = arith.constant 6272 : i32
    %mul3A_21 = arith.muli %arg1, %mul3A_20 : i32
    "tpu.region"() ({
      %run_scoped3A = tpu.sem_alloc : memref<!tpu.dma_semaphore, #tpu.memory_space<semaphore_mem>>
      %dma_start3A_94 = arith.constant 0 : i32
      %dma_start3A_95 = tpu.memref_slice %arg9[%dma_start3A_94] : memref<32768xi32, #tpu.memory_space<vmem>> -> memref<6272xi32, #tpu.memory_space<vmem>>
      %dma_start3A_96 = tpu.memref_slice %arg5[%mul3A_21] : memref<100352xi32, #tpu.memory_space<vmem_shared>> -> memref<6272xi32, #tpu.memory_space<vmem_shared>>
      %dma_start3A_97 = tpu.memref_slice %arg5[%mul3A_21] : memref<100352xi32, #tpu.memory_space<vmem_shared>> -> memref<6272xi32, #tpu.memory_space<vmem_shared>>
      %dma_start3A_98 = arith.constant 0 : i32
      %dma_start3A_99 = tpu.memref_slice %arg9[%dma_start3A_98] : memref<32768xi32, #tpu.memory_space<vmem>> -> memref<6272xi32, #tpu.memory_space<vmem>>
      tpu.enqueue_dma source(%dma_start3A_99 : memref<6272xi32, #tpu.memory_space<vmem>>) target(%dma_start3A_97 : memref<6272xi32, #tpu.memory_space<vmem_shared>>) target_semaphore(%run_scoped3A : memref<!tpu.dma_semaphore, #tpu.memory_space<semaphore_mem>>)
      %dma_wait3A_100 = arith.constant 0 : i32
      %dma_wait3A_101 = tpu.memref_slice %arg9[%dma_wait3A_100] : memref<32768xi32, #tpu.memory_space<vmem>> -> memref<6272xi32, #tpu.memory_space<vmem>>
      %dma_wait3A_102 = tpu.memref_slice %arg5[%mul3A_21] : memref<100352xi32, #tpu.memory_space<vmem_shared>> -> memref<6272xi32, #tpu.memory_space<vmem_shared>>
      %dma_wait3A_103 = tpu.memref_slice %arg5[%mul3A_21] : memref<100352xi32, #tpu.memory_space<vmem_shared>> -> memref<6272xi32, #tpu.memory_space<vmem_shared>>
      %dma_wait3A_104 = arith.constant 0 : i32
      %dma_wait3A_105 = tpu.memref_slice %arg9[%dma_wait3A_104] : memref<32768xi32, #tpu.memory_space<vmem>> -> memref<6272xi32, #tpu.memory_space<vmem>>
      tpu.wait_dma2 semaphore(%run_scoped3A : memref<!tpu.dma_semaphore, #tpu.memory_space<semaphore_mem>>) src(%dma_wait3A_105 : memref<6272xi32, #tpu.memory_space<vmem>>) dst(%dma_wait3A_103 : memref<6272xi32, #tpu.memory_space<vmem_shared>>)
      tpu.yield
    }) : () -> ()
    %barrier3A = arith.constant 0 : index
    tpu.barrier barrier_id(%barrier3A)
    %dma_wait3A = tpu.memref_slice %arg2[%mul3A_9] : memref<204800xi32, #tpu.memory_space<hbm>> -> memref<12800xi32, #tpu.memory_space<hbm>>
    %dma_wait3A_22 = tpu.memref_slice %arg2[%mul3A_9] : memref<204800xi32, #tpu.memory_space<hbm>> -> memref<12800xi32, #tpu.memory_space<hbm>>
    tpu.wait_dma2 semaphore(%arg20 : memref<!tpu.dma_semaphore, #tpu.memory_space<semaphore_mem>>) src(%dma_wait3A_22 : memref<12800xi32, #tpu.memory_space<hbm>>) dst(%arg19 : memref<12800xi32, #tpu.memory_space<vmem>>)
    "tpu.region"() ({
      %run_scoped3A = tpu.sem_alloc : memref<!tpu.dma_semaphore, #tpu.memory_space<semaphore_mem>>
      %dma_start3A_94 = arith.constant 0 : i32
      %dma_start3A_95 = tpu.memref_slice %arg5[%dma_start3A_94] : memref<100352xi32, #tpu.memory_space<vmem_shared>> -> memref<100352xi32, #tpu.memory_space<vmem_shared>>
      tpu.enqueue_indirect_dma source(%arg11 : memref<12800xi32, #tpu.memory_space<vmem>>) target(%dma_start3A_95 : memref<100352xi32, #tpu.memory_space<vmem_shared>>) offsets(%arg19 : memref<12800xi32, #tpu.memory_space<vmem>>) semaphore(%run_scoped3A : memref<!tpu.dma_semaphore, #tpu.memory_space<semaphore_mem>>) {add = true}
      %dma_wait3A_96 = arith.constant 0 : i32
      %dma_wait3A_97 = tpu.memref_slice %arg5[%dma_wait3A_96] : memref<100352xi32, #tpu.memory_space<vmem_shared>> -> memref<100352xi32, #tpu.memory_space<vmem_shared>>
      tpu.wait_indirect_dma semaphore(%run_scoped3A : memref<!tpu.dma_semaphore, #tpu.memory_space<semaphore_mem>>) src(%arg11 : memref<12800xi32, #tpu.memory_space<vmem>>) dst(%dma_wait3A_97 : memref<100352xi32, #tpu.memory_space<vmem_shared>>)
      tpu.yield
    }) : () -> ()
    %barrier3A_23 = arith.constant 0 : index
    tpu.barrier barrier_id(%barrier3A_23)
    %mul3A_24 = arith.constant 6272 : i32
    %mul3A_25 = arith.muli %arg1, %mul3A_24 : i32
    "tpu.region"() ({
      %run_scoped3A = tpu.sem_alloc : memref<!tpu.dma_semaphore, #tpu.memory_space<semaphore_mem>>
      %dma_start3A_94 = tpu.memref_slice %arg5[%mul3A_25] : memref<100352xi32, #tpu.memory_space<vmem_shared>> -> memref<6272xi32, #tpu.memory_space<vmem_shared>>
      %dma_start3A_95 = tpu.memref_slice %arg5[%mul3A_25] : memref<100352xi32, #tpu.memory_space<vmem_shared>> -> memref<6272xi32, #tpu.memory_space<vmem_shared>>
      tpu.enqueue_dma source(%dma_start3A_95 : memref<6272xi32, #tpu.memory_space<vmem_shared>>) target(%arg6 : memref<6272xi32, #tpu.memory_space<vmem>>) target_semaphore(%run_scoped3A : memref<!tpu.dma_semaphore, #tpu.memory_space<semaphore_mem>>)
      %dma_wait3A_96 = tpu.memref_slice %arg5[%mul3A_25] : memref<100352xi32, #tpu.memory_space<vmem_shared>> -> memref<6272xi32, #tpu.memory_space<vmem_shared>>
      %dma_wait3A_97 = tpu.memref_slice %arg5[%mul3A_25] : memref<100352xi32, #tpu.memory_space<vmem_shared>> -> memref<6272xi32, #tpu.memory_space<vmem_shared>>
      tpu.wait_dma2 semaphore(%run_scoped3A : memref<!tpu.dma_semaphore, #tpu.memory_space<semaphore_mem>>) src(%dma_wait3A_97 : memref<6272xi32, #tpu.memory_space<vmem_shared>>) dst(%arg6 : memref<6272xi32, #tpu.memory_space<vmem>>)
      tpu.yield
    }) : () -> ()
    %mul3A_26 = arith.constant 196 : i32
    %mul3A_27 = vector.broadcast %mul3A_26 : i32 to vector<16xi32>
    %mul3A_28 = arith.muli %iota3A, %mul3A_27 : vector<16xi32>
    %gather3A = tpu.vector_load_idx %arg6[%mul3A_28] : memref<6272xi32, #tpu.memory_space<vmem>>[vector<16xi32>], vector<16xi32>,
    %add3A = arith.constant 3136 : i32
    %add3A_29 = vector.broadcast %add3A : i32 to vector<16xi32>
    %add3A_30 = arith.addi %mul3A_28, %add3A_29 : vector<16xi32>
    %gather3A_31 = tpu.vector_load_idx %arg6[%add3A_30] : memref<6272xi32, #tpu.memory_space<vmem>>[vector<16xi32>], vector<16xi32>,
    %scan3A = arith.constant 0 : i32
    %scan3A_32 = arith.constant 196 : i32
    %scan3A_33 = arith.addi %scan3A, %scan3A_32 : i32
    %scan3A_34 = arith.constant 1 : i32
    %scan3A_35:3 = scf.for %scan3A_94 = %scan3A to %scan3A_33 step %scan3A_34 iter_args(%scan3A_95 = %gather3A, %scan3A_96 = %gather3A_31, %scan3A_97 = %broadcast_in_dim3A_0) -> (vector<16xi32>, vector<16xi32>, vector<16xi32>)  : i32 {
      %add3A_98 = arith.constant 1 : i32
      %add3A_99 = arith.addi %scan3A_94, %add3A_98 : i32
      %min3A = arith.constant 195 : i32
      %min3A_100 = arith.minsi %add3A_99, %min3A : i32
      %add3A_101 = vector.broadcast %min3A_100 : i32 to vector<16xi32>
      %add3A_102 = arith.addi %mul3A_28, %add3A_101 : vector<16xi32>
      %gather3A_103 = tpu.vector_load_idx %arg6[%add3A_102] : memref<6272xi32, #tpu.memory_space<vmem>>[vector<16xi32>], vector<16xi32>,
      %add3A_104 = arith.constant 3136 : i32
      %add3A_105 = arith.addi %add3A_104, %min3A_100 : i32
      %add3A_106 = vector.broadcast %add3A_105 : i32 to vector<16xi32>
      %add3A_107 = arith.addi %mul3A_28, %add3A_106 : vector<16xi32>
      %gather3A_108 = tpu.vector_load_idx %arg6[%add3A_107] : memref<6272xi32, #tpu.memory_space<vmem>>[vector<16xi32>], vector<16xi32>,
      %min3A_109 = arith.constant 1023 : i32
      %min3A_110 = vector.broadcast %min3A_109 : i32 to vector<16xi32>
      %min3A_111 = arith.minsi %scan3A_95, %min3A_110 : vector<16xi32>
      %min3A_112 = arith.constant 1023 : i32
      %min3A_113 = vector.broadcast %min3A_112 : i32 to vector<16xi32>
      %min3A_114 = arith.minsi %scan3A_96, %min3A_113 : vector<16xi32>
      %add3A_115 = arith.addi %mul3A_7, %min3A_111 : vector<16xi32>
      %add3A_116 = arith.constant 16384 : i32
      %add3A_117 = vector.broadcast %add3A_116 : i32 to vector<16xi32>
      %add3A_118 = arith.addi %add3A_117, %min3A_114 : vector<16xi32>
      %add3A_119 = arith.addi %mul3A_7, %add3A_118 : vector<16xi32>
      %gather3A_120 = tpu.vector_load_idx %arg9[%add3A_115] : memref<32768xi32, #tpu.memory_space<vmem>>[vector<16xi32>], vector<16xi32>,
      %gather3A_121 = tpu.vector_load_idx %arg9[%add3A_119] : memref<32768xi32, #tpu.memory_space<vmem>>[vector<16xi32>], vector<16xi32>,
      %add3A_122 = vector.broadcast %scan3A_94 : i32 to vector<16xi32>
      %add3A_123 = arith.addi %mul3A_28, %add3A_122 : vector<16xi32>
      %mul3A_124 = arith.constant 1024 : i32
      %mul3A_125 = vector.broadcast %mul3A_124 : i32 to vector<16xi32>
      %mul3A_126 = arith.muli %gather3A_120, %mul3A_125 : vector<16xi32>
      %add3A_127 = arith.addi %mul3A_126, %min3A_111 : vector<16xi32>
      tpu.vector_store_idx %arg17[%add3A_123], %add3A_127 : memref<6272xi32, #tpu.memory_space<vmem>>[vector<16xi32>], vector<16xi32>,
      %add3A_128 = arith.constant 3136 : i32
      %add3A_129 = arith.addi %add3A_128, %scan3A_94 : i32
      %add3A_130 = vector.broadcast %add3A_129 : i32 to vector<16xi32>
      %add3A_131 = arith.addi %mul3A_28, %add3A_130 : vector<16xi32>
      %mul3A_132 = arith.constant 1024 : i32
      %mul3A_133 = vector.broadcast %mul3A_132 : i32 to vector<16xi32>
      %mul3A_134 = arith.muli %gather3A_121, %mul3A_133 : vector<16xi32>
      %add3A_135 = arith.addi %mul3A_134, %min3A_114 : vector<16xi32>
      tpu.vector_store_idx %arg17[%add3A_131], %add3A_135 : memref<6272xi32, #tpu.memory_space<vmem>>[vector<16xi32>], vector<16xi32>,
      %lt3A = arith.constant 1024 : i32
      %lt3A_136 = vector.broadcast %lt3A : i32 to vector<16xi32>
      %lt3A_137 = arith.cmpi slt, %scan3A_95, %lt3A_136 : vector<16xi32>
      tpu.vector_store_idx %arg9[%add3A_115], %broadcast_in_dim3A_2 masked %lt3A_137 {add = true} : memref<32768xi32, #tpu.memory_space<vmem>>[vector<16xi32>], vector<16xi32>, vector<16xi1>
      %lt3A_138 = arith.constant 1024 : i32
      %lt3A_139 = vector.broadcast %lt3A_138 : i32 to vector<16xi32>
      %lt3A_140 = arith.cmpi slt, %scan3A_96, %lt3A_139 : vector<16xi32>
      tpu.vector_store_idx %arg9[%add3A_119], %broadcast_in_dim3A_2 masked %lt3A_140 {add = true} : memref<32768xi32, #tpu.memory_space<vmem>>[vector<16xi32>], vector<16xi32>, vector<16xi1>
      %max3A = arith.maxsi %scan3A_95, %scan3A_96 : vector<16xi32>
      %max3A_141 = arith.maxsi %scan3A_97, %max3A : vector<16xi32>
      scf.yield %gather3A_103, %gather3A_108, %max3A_141 : vector<16xi32>, vector<16xi32>, vector<16xi32>
    }
    %scan3A_36 = arith.constant 196 : i32
    %reduce_max3A = arith.constant true
    %reduce_max3A_37 = vector.broadcast %reduce_max3A : i1 to vector<16xi1>
    %reduce_max3A_38 = arith.constant -2147483648 : i32
    %reduce_max3A_39 = vector.broadcast %reduce_max3A_38 : i32 to vector<16xi32>
    %reduce_max3A_40 = arith.xori %scan3A_35#2, %reduce_max3A_39 : vector<16xi32>
    %reduce_max3A_41 = tpu.scan <max>, %reduce_max3A_40 masked %reduce_max3A_37 : vector<16xi32>, vector<16xi1> -> vector<16xi32>
    %reduce_max3A_42 = arith.xori %reduce_max3A_41, %reduce_max3A_39 : vector<16xi32>
    %reduce_max3A_43 = vector.extract %reduce_max3A_42[15] : i32 from vector<16xi32>
    %parallel_loop3A_44 = arith.constant 0 : i32
    %parallel_loop3A_45 = arith.constant 64 : i32
    %parallel_loop3A_46 = arith.constant 1 : i32
    scf.for %parallel_loop3A_94 = %parallel_loop3A_44 to %parallel_loop3A_45 step %parallel_loop3A_46  : i32 {
      %parallel_loop3A_95 = arith.constant 16 : i32
      %parallel_loop3A_96 = arith.muli %parallel_loop3A_94, %parallel_loop3A_95 : i32
      %parallel_loop3A_97 = arith.constant 0 : i32
      %parallel_loop3A_98 = arith.addi %parallel_loop3A_97, %parallel_loop3A_96 : i32
      %parallel_loop3A_99 = arith.index_cast %parallel_loop3A_98 : i32 to index
      %parallel_loop3A_100 = tpu.vector_load %arg9[%parallel_loop3A_99] {strides = array<i32>} : memref<32768xi32, #tpu.memory_space<vmem>>, vector<16xi32>,
      %parallel_loop3A_101 = arith.constant 16 : i32
      %parallel_loop3A_102 = arith.muli %parallel_loop3A_94, %parallel_loop3A_101 : i32
      %parallel_loop3A_103 = arith.constant 0 : i32
      %parallel_loop3A_104 = arith.addi %parallel_loop3A_103, %parallel_loop3A_102 : i32
      %parallel_loop3A_105 = arith.index_cast %parallel_loop3A_104 : i32 to index
      %parallel_loop3A_106 = tpu.vector_load %arg9[%parallel_loop3A_105] {strides = array<i32>} : memref<32768xi32, #tpu.memory_space<vmem>>, vector<16xi32>,
      tpu.vector_store %arg9[%parallel_loop3A_105], %broadcast_in_dim3A_0 {strides = array<i32>} : memref<32768xi32, #tpu.memory_space<vmem>>, vector<16xi32>,
      %parallel_loop3A_107 = arith.addi %broadcast_in_dim3A_0, %parallel_loop3A_100 : vector<16xi32>
      %parallel_loop3A_108 = arith.constant 16 : i32
      %parallel_loop3A_109 = arith.muli %parallel_loop3A_94, %parallel_loop3A_108 : i32
      %parallel_loop3A_110 = arith.constant 1024 : i32
      %parallel_loop3A_111 = arith.addi %parallel_loop3A_110, %parallel_loop3A_109 : i32
      %parallel_loop3A_112 = arith.index_cast %parallel_loop3A_111 : i32 to index
      %parallel_loop3A_113 = tpu.vector_load %arg9[%parallel_loop3A_112] {strides = array<i32>} : memref<32768xi32, #tpu.memory_space<vmem>>, vector<16xi32>,
      %parallel_loop3A_114 = arith.constant 16 : i32
      %parallel_loop3A_115 = arith.muli %parallel_loop3A_94, %parallel_loop3A_114 : i32
      %parallel_loop3A_116 = arith.constant 1024 : i32
      %parallel_loop3A_117 = arith.addi %parallel_loop3A_116, %parallel_loop3A_115 : i32
      %parallel_loop3A_118 = arith.index_cast %parallel_loop3A_117 : i32 to index
      %parallel_loop3A_119 = tpu.vector_load %arg9[%parallel_loop3A_118] {strides = array<i32>} : memref<32768xi32, #tpu.memory_space<vmem>>, vector<16xi32>,
      tpu.vector_store %arg9[%parallel_loop3A_118], %parallel_loop3A_107 {strides = array<i32>} : memref<32768xi32, #tpu.memory_space<vmem>>, vector<16xi32>,
      %parallel_loop3A_120 = arith.addi %parallel_loop3A_107, %parallel_loop3A_113 : vector<16xi32>
      %parallel_loop3A_121 = arith.constant 16 : i32
      %parallel_loop3A_122 = arith.muli %parallel_loop3A_94, %parallel_loop3A_121 : i32
      %parallel_loop3A_123 = arith.constant 2048 : i32
      %parallel_loop3A_124 = arith.addi %parallel_loop3A_123, %parallel_loop3A_122 : i32
      %parallel_loop3A_125 = arith.index_cast %parallel_loop3A_124 : i32 to index
      %parallel_loop3A_126 = tpu.vector_load %arg9[%parallel_loop3A_125] {strides = array<i32>} : memref<32768xi32, #tpu.memory_space<vmem>>, vector<16xi32>,
      %parallel_loop3A_127 = arith.constant 16 : i32
      %parallel_loop3A_128 = arith.muli %parallel_loop3A_94, %parallel_loop3A_127 : i32
      %parallel_loop3A_129 = arith.constant 2048 : i32
      %parallel_loop3A_130 = arith.addi %parallel_loop3A_129, %parallel_loop3A_128 : i32
      %parallel_loop3A_131 = arith.index_cast %parallel_loop3A_130 : i32 to index
      %parallel_loop3A_132 = tpu.vector_load %arg9[%parallel_loop3A_131] {strides = array<i32>} : memref<32768xi32, #tpu.memory_space<vmem>>, vector<16xi32>,
      tpu.vector_store %arg9[%parallel_loop3A_131], %parallel_loop3A_120 {strides = array<i32>} : memref<32768xi32, #tpu.memory_space<vmem>>, vector<16xi32>,
      %parallel_loop3A_133 = arith.addi %parallel_loop3A_120, %parallel_loop3A_126 : vector<16xi32>
      %parallel_loop3A_134 = arith.constant 16 : i32
      %parallel_loop3A_135 = arith.muli %parallel_loop3A_94, %parallel_loop3A_134 : i32
      %parallel_loop3A_136 = arith.constant 3072 : i32
      %parallel_loop3A_137 = arith.addi %parallel_loop3A_136, %parallel_loop3A_135 : i32
      %parallel_loop3A_138 = arith.index_cast %parallel_loop3A_137 : i32 to index
      %parallel_loop3A_139 = tpu.vector_load %arg9[%parallel_loop3A_138] {strides = array<i32>} : memref<32768xi32, #tpu.memory_space<vmem>>, vector<16xi32>,
      %parallel_loop3A_140 = arith.constant 16 : i32
      %parallel_loop3A_141 = arith.muli %parallel_loop3A_94, %parallel_loop3A_140 : i32
      %parallel_loop3A_142 = arith.constant 3072 : i32
      %parallel_loop3A_143 = arith.addi %parallel_loop3A_142, %parallel_loop3A_141 : i32
      %parallel_loop3A_144 = arith.index_cast %parallel_loop3A_143 : i32 to index
      %parallel_loop3A_145 = tpu.vector_load %arg9[%parallel_loop3A_144] {strides = array<i32>} : memref<32768xi32, #tpu.memory_space<vmem>>, vector<16xi32>,
      tpu.vector_store %arg9[%parallel_loop3A_144], %parallel_loop3A_133 {strides = array<i32>} : memref<32768xi32, #tpu.memory_space<vmem>>, vector<16xi32>,
      %parallel_loop3A_146 = arith.addi %parallel_loop3A_133, %parallel_loop3A_139 : vector<16xi32>
      %parallel_loop3A_147 = arith.constant 16 : i32
      %parallel_loop3A_148 = arith.muli %parallel_loop3A_94, %parallel_loop3A_147 : i32
      %parallel_loop3A_149 = arith.constant 4096 : i32
      %parallel_loop3A_150 = arith.addi %parallel_loop3A_149, %parallel_loop3A_148 : i32
      %parallel_loop3A_151 = arith.index_cast %parallel_loop3A_150 : i32 to index
      %parallel_loop3A_152 = tpu.vector_load %arg9[%parallel_loop3A_151] {strides = array<i32>} : memref<32768xi32, #tpu.memory_space<vmem>>, vector<16xi32>,
      %parallel_loop3A_153 = arith.constant 16 : i32
      %parallel_loop3A_154 = arith.muli %parallel_loop3A_94, %parallel_loop3A_153 : i32
      %parallel_loop3A_155 = arith.constant 4096 : i32
      %parallel_loop3A_156 = arith.addi %parallel_loop3A_155, %parallel_loop3A_154 : i32
      %parallel_loop3A_157 = arith.index_cast %parallel_loop3A_156 : i32 to index
      %parallel_loop3A_158 = tpu.vector_load %arg9[%parallel_loop3A_157] {strides = array<i32>} : memref<32768xi32, #tpu.memory_space<vmem>>, vector<16xi32>,
      tpu.vector_store %arg9[%parallel_loop3A_157], %parallel_loop3A_146 {strides = array<i32>} : memref<32768xi32, #tpu.memory_space<vmem>>, vector<16xi32>,
      %parallel_loop3A_159 = arith.addi %parallel_loop3A_146, %parallel_loop3A_152 : vector<16xi32>
      %parallel_loop3A_160 = arith.constant 16 : i32
      %parallel_loop3A_161 = arith.muli %parallel_loop3A_94, %parallel_loop3A_160 : i32
      %parallel_loop3A_162 = arith.constant 5120 : i32
      %parallel_loop3A_163 = arith.addi %parallel_loop3A_162, %parallel_loop3A_161 : i32
      %parallel_loop3A_164 = arith.index_cast %parallel_loop3A_163 : i32 to index
      %parallel_loop3A_165 = tpu.vector_load %arg9[%parallel_loop3A_164] {strides = array<i32>} : memref<32768xi32, #tpu.memory_space<vmem>>, vector<16xi32>,
      %parallel_loop3A_166 = arith.constant 16 : i32
      %parallel_loop3A_167 = arith.muli %parallel_loop3A_94, %parallel_loop3A_166 : i32
      %parallel_loop3A_168 = arith.constant 5120 : i32
      %parallel_loop3A_169 = arith.addi %parallel_loop3A_168, %parallel_loop3A_167 : i32
      %parallel_loop3A_170 = arith.index_cast %parallel_loop3A_169 : i32 to index
      %parallel_loop3A_171 = tpu.vector_load %arg9[%parallel_loop3A_170] {strides = array<i32>} : memref<32768xi32, #tpu.memory_space<vmem>>, vector<16xi32>,
      tpu.vector_store %arg9[%parallel_loop3A_170], %parallel_loop3A_159 {strides = array<i32>} : memref<32768xi32, #tpu.memory_space<vmem>>, vector<16xi32>,
      %parallel_loop3A_172 = arith.addi %parallel_loop3A_159, %parallel_loop3A_165 : vector<16xi32>
      %parallel_loop3A_173 = arith.constant 16 : i32
      %parallel_loop3A_174 = arith.muli %parallel_loop3A_94, %parallel_loop3A_173 : i32
      %parallel_loop3A_175 = arith.constant 6144 : i32
      %parallel_loop3A_176 = arith.addi %parallel_loop3A_175, %parallel_loop3A_174 : i32
      %parallel_loop3A_177 = arith.index_cast %parallel_loop3A_176 : i32 to index
      %parallel_loop3A_178 = tpu.vector_load %arg9[%parallel_loop3A_177] {strides = array<i32>} : memref<32768xi32, #tpu.memory_space<vmem>>, vector<16xi32>,
      %parallel_loop3A_179 = arith.constant 16 : i32
      %parallel_loop3A_180 = arith.muli %parallel_loop3A_94, %parallel_loop3A_179 : i32
      %parallel_loop3A_181 = arith.constant 6144 : i32
      %parallel_loop3A_182 = arith.addi %parallel_loop3A_181, %parallel_loop3A_180 : i32
      %parallel_loop3A_183 = arith.index_cast %parallel_loop3A_182 : i32 to index
      %parallel_loop3A_184 = tpu.vector_load %arg9[%parallel_loop3A_183] {strides = array<i32>} : memref<32768xi32, #tpu.memory_space<vmem>>, vector<16xi32>,
      tpu.vector_store %arg9[%parallel_loop3A_183], %parallel_loop3A_172 {strides = array<i32>} : memref<32768xi32, #tpu.memory_space<vmem>>, vector<16xi32>,
      %parallel_loop3A_185 = arith.addi %parallel_loop3A_172, %parallel_loop3A_178 : vector<16xi32>
      %parallel_loop3A_186 = arith.constant 16 : i32
      %parallel_loop3A_187 = arith.muli %parallel_loop3A_94, %parallel_loop3A_186 : i32
      %parallel_loop3A_188 = arith.constant 7168 : i32
      %parallel_loop3A_189 = arith.addi %parallel_loop3A_188, %parallel_loop3A_187 : i32
      %parallel_loop3A_190 = arith.index_cast %parallel_loop3A_189 : i32 to index
      %parallel_loop3A_191 = tpu.vector_load %arg9[%parallel_loop3A_190] {strides = array<i32>} : memref<32768xi32, #tpu.memory_space<vmem>>, vector<16xi32>,
      %parallel_loop3A_192 = arith.constant 16 : i32
      %parallel_loop3A_193 = arith.muli %parallel_loop3A_94, %parallel_loop3A_192 : i32
      %parallel_loop3A_194 = arith.constant 7168 : i32
      %parallel_loop3A_195 = arith.addi %parallel_loop3A_194, %parallel_loop3A_193 : i32
      %parallel_loop3A_196 = arith.index_cast %parallel_loop3A_195 : i32 to index
      %parallel_loop3A_197 = tpu.vector_load %arg9[%parallel_loop3A_196] {strides = array<i32>} : memref<32768xi32, #tpu.memory_space<vmem>>, vector<16xi32>,
      tpu.vector_store %arg9[%parallel_loop3A_196], %parallel_loop3A_185 {strides = array<i32>} : memref<32768xi32, #tpu.memory_space<vmem>>, vector<16xi32>,
      %parallel_loop3A_198 = arith.addi %parallel_loop3A_185, %parallel_loop3A_191 : vector<16xi32>
      %parallel_loop3A_199 = arith.constant 16 : i32
      %parallel_loop3A_200 = arith.muli %parallel_loop3A_94, %parallel_loop3A_199 : i32
      %parallel_loop3A_201 = arith.constant 8192 : i32
      %parallel_loop3A_202 = arith.addi %parallel_loop3A_201, %parallel_loop3A_200 : i32
      %parallel_loop3A_203 = arith.index_cast %parallel_loop3A_202 : i32 to index
      %parallel_loop3A_204 = tpu.vector_load %arg9[%parallel_loop3A_203] {strides = array<i32>} : memref<32768xi32, #tpu.memory_space<vmem>>, vector<16xi32>,
      %parallel_loop3A_205 = arith.constant 16 : i32
      %parallel_loop3A_206 = arith.muli %parallel_loop3A_94, %parallel_loop3A_205 : i32
      %parallel_loop3A_207 = arith.constant 8192 : i32
      %parallel_loop3A_208 = arith.addi %parallel_loop3A_207, %parallel_loop3A_206 : i32
      %parallel_loop3A_209 = arith.index_cast %parallel_loop3A_208 : i32 to index
      %parallel_loop3A_210 = tpu.vector_load %arg9[%parallel_loop3A_209] {strides = array<i32>} : memref<32768xi32, #tpu.memory_space<vmem>>, vector<16xi32>,
      tpu.vector_store %arg9[%parallel_loop3A_209], %parallel_loop3A_198 {strides = array<i32>} : memref<32768xi32, #tpu.memory_space<vmem>>, vector<16xi32>,
      %parallel_loop3A_211 = arith.addi %parallel_loop3A_198, %parallel_loop3A_204 : vector<16xi32>
      %parallel_loop3A_212 = arith.constant 16 : i32
      %parallel_loop3A_213 = arith.muli %parallel_loop3A_94, %parallel_loop3A_212 : i32
      %parallel_loop3A_214 = arith.constant 9216 : i32
      %parallel_loop3A_215 = arith.addi %parallel_loop3A_214, %parallel_loop3A_213 : i32
      %parallel_loop3A_216 = arith.index_cast %parallel_loop3A_215 : i32 to index
      %parallel_loop3A_217 = tpu.vector_load %arg9[%parallel_loop3A_216] {strides = array<i32>} : memref<32768xi32, #tpu.memory_space<vmem>>, vector<16xi32>,
      %parallel_loop3A_218 = arith.constant 16 : i32
      %parallel_loop3A_219 = arith.muli %parallel_loop3A_94, %parallel_loop3A_218 : i32
      %parallel_loop3A_220 = arith.constant 9216 : i32
      %parallel_loop3A_221 = arith.addi %parallel_loop3A_220, %parallel_loop3A_219 : i32
      %parallel_loop3A_222 = arith.index_cast %parallel_loop3A_221 : i32 to index
      %parallel_loop3A_223 = tpu.vector_load %arg9[%parallel_loop3A_222] {strides = array<i32>} : memref<32768xi32, #tpu.memory_space<vmem>>, vector<16xi32>,
      tpu.vector_store %arg9[%parallel_loop3A_222], %parallel_loop3A_211 {strides = array<i32>} : memref<32768xi32, #tpu.memory_space<vmem>>, vector<16xi32>,
      %parallel_loop3A_224 = arith.addi %parallel_loop3A_211, %parallel_loop3A_217 : vector<16xi32>
      %parallel_loop3A_225 = arith.constant 16 : i32
      %parallel_loop3A_226 = arith.muli %parallel_loop3A_94, %parallel_loop3A_225 : i32
      %parallel_loop3A_227 = arith.constant 10240 : i32
      %parallel_loop3A_228 = arith.addi %parallel_loop3A_227, %parallel_loop3A_226 : i32
      %parallel_loop3A_229 = arith.index_cast %parallel_loop3A_228 : i32 to index
      %parallel_loop3A_230 = tpu.vector_load %arg9[%parallel_loop3A_229] {strides = array<i32>} : memref<32768xi32, #tpu.memory_space<vmem>>, vector<16xi32>,
      %parallel_loop3A_231 = arith.constant 16 : i32
      %parallel_loop3A_232 = arith.muli %parallel_loop3A_94, %parallel_loop3A_231 : i32
      %parallel_loop3A_233 = arith.constant 10240 : i32
      %parallel_loop3A_234 = arith.addi %parallel_loop3A_233, %parallel_loop3A_232 : i32
      %parallel_loop3A_235 = arith.index_cast %parallel_loop3A_234 : i32 to index
      %parallel_loop3A_236 = tpu.vector_load %arg9[%parallel_loop3A_235] {strides = array<i32>} : memref<32768xi32, #tpu.memory_space<vmem>>, vector<16xi32>,
      tpu.vector_store %arg9[%parallel_loop3A_235], %parallel_loop3A_224 {strides = array<i32>} : memref<32768xi32, #tpu.memory_space<vmem>>, vector<16xi32>,
      %parallel_loop3A_237 = arith.addi %parallel_loop3A_224, %parallel_loop3A_230 : vector<16xi32>
      %parallel_loop3A_238 = arith.constant 16 : i32
      %parallel_loop3A_239 = arith.muli %parallel_loop3A_94, %parallel_loop3A_238 : i32
      %parallel_loop3A_240 = arith.constant 11264 : i32
      %parallel_loop3A_241 = arith.addi %parallel_loop3A_240, %parallel_loop3A_239 : i32
      %parallel_loop3A_242 = arith.index_cast %parallel_loop3A_241 : i32 to index
      %parallel_loop3A_243 = tpu.vector_load %arg9[%parallel_loop3A_242] {strides = array<i32>} : memref<32768xi32, #tpu.memory_space<vmem>>, vector<16xi32>,
      %parallel_loop3A_244 = arith.constant 16 : i32
      %parallel_loop3A_245 = arith.muli %parallel_loop3A_94, %parallel_loop3A_244 : i32
      %parallel_loop3A_246 = arith.constant 11264 : i32
      %parallel_loop3A_247 = arith.addi %parallel_loop3A_246, %parallel_loop3A_245 : i32
      %parallel_loop3A_248 = arith.index_cast %parallel_loop3A_247 : i32 to index
      %parallel_loop3A_249 = tpu.vector_load %arg9[%parallel_loop3A_248] {strides = array<i32>} : memref<32768xi32, #tpu.memory_space<vmem>>, vector<16xi32>,
      tpu.vector_store %arg9[%parallel_loop3A_248], %parallel_loop3A_237 {strides = array<i32>} : memref<32768xi32, #tpu.memory_space<vmem>>, vector<16xi32>,
      %parallel_loop3A_250 = arith.addi %parallel_loop3A_237, %parallel_loop3A_243 : vector<16xi32>
      %parallel_loop3A_251 = arith.constant 16 : i32
      %parallel_loop3A_252 = arith.muli %parallel_loop3A_94, %parallel_loop3A_251 : i32
      %parallel_loop3A_253 = arith.constant 12288 : i32
      %parallel_loop3A_254 = arith.addi %parallel_loop3A_253, %parallel_loop3A_252 : i32
      %parallel_loop3A_255 = arith.index_cast %parallel_loop3A_254 : i32 to index
      %parallel_loop3A_256 = tpu.vector_load %arg9[%parallel_loop3A_255] {strides = array<i32>} : memref<32768xi32, #tpu.memory_space<vmem>>, vector<16xi32>,
      %parallel_loop3A_257 = arith.constant 16 : i32
      %parallel_loop3A_258 = arith.muli %parallel_loop3A_94, %parallel_loop3A_257 : i32
      %parallel_loop3A_259 = arith.constant 12288 : i32
      %parallel_loop3A_260 = arith.addi %parallel_loop3A_259, %parallel_loop3A_258 : i32
      %parallel_loop3A_261 = arith.index_cast %parallel_loop3A_260 : i32 to index
      %parallel_loop3A_262 = tpu.vector_load %arg9[%parallel_loop3A_261] {strides = array<i32>} : memref<32768xi32, #tpu.memory_space<vmem>>, vector<16xi32>,
      tpu.vector_store %arg9[%parallel_loop3A_261], %parallel_loop3A_250 {strides = array<i32>} : memref<32768xi32, #tpu.memory_space<vmem>>, vector<16xi32>,
      %parallel_loop3A_263 = arith.addi %parallel_loop3A_250, %parallel_loop3A_256 : vector<16xi32>
      %parallel_loop3A_264 = arith.constant 16 : i32
      %parallel_loop3A_265 = arith.muli %parallel_loop3A_94, %parallel_loop3A_264 : i32
      %parallel_loop3A_266 = arith.constant 13312 : i32
      %parallel_loop3A_267 = arith.addi %parallel_loop3A_266, %parallel_loop3A_265 : i32
      %parallel_loop3A_268 = arith.index_cast %parallel_loop3A_267 : i32 to index
      %parallel_loop3A_269 = tpu.vector_load %arg9[%parallel_loop3A_268] {strides = array<i32>} : memref<32768xi32, #tpu.memory_space<vmem>>, vector<16xi32>,
      %parallel_loop3A_270 = arith.constant 16 : i32
      %parallel_loop3A_271 = arith.muli %parallel_loop3A_94, %parallel_loop3A_270 : i32
      %parallel_loop3A_272 = arith.constant 13312 : i32
      %parallel_loop3A_273 = arith.addi %parallel_loop3A_272, %parallel_loop3A_271 : i32
      %parallel_loop3A_274 = arith.index_cast %parallel_loop3A_273 : i32 to index
      %parallel_loop3A_275 = tpu.vector_load %arg9[%parallel_loop3A_274] {strides = array<i32>} : memref<32768xi32, #tpu.memory_space<vmem>>, vector<16xi32>,
      tpu.vector_store %arg9[%parallel_loop3A_274], %parallel_loop3A_263 {strides = array<i32>} : memref<32768xi32, #tpu.memory_space<vmem>>, vector<16xi32>,
      %parallel_loop3A_276 = arith.addi %parallel_loop3A_263, %parallel_loop3A_269 : vector<16xi32>
      %parallel_loop3A_277 = arith.constant 16 : i32
      %parallel_loop3A_278 = arith.muli %parallel_loop3A_94, %parallel_loop3A_277 : i32
      %parallel_loop3A_279 = arith.constant 14336 : i32
      %parallel_loop3A_280 = arith.addi %parallel_loop3A_279, %parallel_loop3A_278 : i32
      %parallel_loop3A_281 = arith.index_cast %parallel_loop3A_280 : i32 to index
      %parallel_loop3A_282 = tpu.vector_load %arg9[%parallel_loop3A_281] {strides = array<i32>} : memref<32768xi32, #tpu.memory_space<vmem>>, vector<16xi32>,
      %parallel_loop3A_283 = arith.constant 16 : i32
      %parallel_loop3A_284 = arith.muli %parallel_loop3A_94, %parallel_loop3A_283 : i32
      %parallel_loop3A_285 = arith.constant 14336 : i32
      %parallel_loop3A_286 = arith.addi %parallel_loop3A_285, %parallel_loop3A_284 : i32
      %parallel_loop3A_287 = arith.index_cast %parallel_loop3A_286 : i32 to index
      %parallel_loop3A_288 = tpu.vector_load %arg9[%parallel_loop3A_287] {strides = array<i32>} : memref<32768xi32, #tpu.memory_space<vmem>>, vector<16xi32>,
      tpu.vector_store %arg9[%parallel_loop3A_287], %parallel_loop3A_276 {strides = array<i32>} : memref<32768xi32, #tpu.memory_space<vmem>>, vector<16xi32>,
      %parallel_loop3A_289 = arith.addi %parallel_loop3A_276, %parallel_loop3A_282 : vector<16xi32>
      %parallel_loop3A_290 = arith.constant 16 : i32
      %parallel_loop3A_291 = arith.muli %parallel_loop3A_94, %parallel_loop3A_290 : i32
      %parallel_loop3A_292 = arith.constant 15360 : i32
      %parallel_loop3A_293 = arith.addi %parallel_loop3A_292, %parallel_loop3A_291 : i32
      %parallel_loop3A_294 = arith.index_cast %parallel_loop3A_293 : i32 to index
      %parallel_loop3A_295 = tpu.vector_load %arg9[%parallel_loop3A_294] {strides = array<i32>} : memref<32768xi32, #tpu.memory_space<vmem>>, vector<16xi32>,
      %parallel_loop3A_296 = arith.constant 16 : i32
      %parallel_loop3A_297 = arith.muli %parallel_loop3A_94, %parallel_loop3A_296 : i32
      %parallel_loop3A_298 = arith.constant 15360 : i32
      %parallel_loop3A_299 = arith.addi %parallel_loop3A_298, %parallel_loop3A_297 : i32
      %parallel_loop3A_300 = arith.index_cast %parallel_loop3A_299 : i32 to index
      %parallel_loop3A_301 = tpu.vector_load %arg9[%parallel_loop3A_300] {strides = array<i32>} : memref<32768xi32, #tpu.memory_space<vmem>>, vector<16xi32>,
      tpu.vector_store %arg9[%parallel_loop3A_300], %parallel_loop3A_289 {strides = array<i32>} : memref<32768xi32, #tpu.memory_space<vmem>>, vector<16xi32>,
      %parallel_loop3A_302 = arith.addi %parallel_loop3A_289, %parallel_loop3A_295 : vector<16xi32>
      %parallel_loop3A_303 = arith.constant 16 : i32
      %parallel_loop3A_304 = arith.muli %parallel_loop3A_94, %parallel_loop3A_303 : i32
      %parallel_loop3A_305 = arith.constant 16384 : i32
      %parallel_loop3A_306 = arith.addi %parallel_loop3A_305, %parallel_loop3A_304 : i32
      %parallel_loop3A_307 = arith.index_cast %parallel_loop3A_306 : i32 to index
      %parallel_loop3A_308 = tpu.vector_load %arg9[%parallel_loop3A_307] {strides = array<i32>} : memref<32768xi32, #tpu.memory_space<vmem>>, vector<16xi32>,
      %parallel_loop3A_309 = arith.constant 16 : i32
      %parallel_loop3A_310 = arith.muli %parallel_loop3A_94, %parallel_loop3A_309 : i32
      %parallel_loop3A_311 = arith.constant 16384 : i32
      %parallel_loop3A_312 = arith.addi %parallel_loop3A_311, %parallel_loop3A_310 : i32
      %parallel_loop3A_313 = arith.index_cast %parallel_loop3A_312 : i32 to index
      %parallel_loop3A_314 = tpu.vector_load %arg9[%parallel_loop3A_313] {strides = array<i32>} : memref<32768xi32, #tpu.memory_space<vmem>>, vector<16xi32>,
      tpu.vector_store %arg9[%parallel_loop3A_313], %parallel_loop3A_302 {strides = array<i32>} : memref<32768xi32, #tpu.memory_space<vmem>>, vector<16xi32>,
      %parallel_loop3A_315 = arith.addi %parallel_loop3A_302, %parallel_loop3A_308 : vector<16xi32>
      %parallel_loop3A_316 = arith.constant 16 : i32
      %parallel_loop3A_317 = arith.muli %parallel_loop3A_94, %parallel_loop3A_316 : i32
      %parallel_loop3A_318 = arith.constant 17408 : i32
      %parallel_loop3A_319 = arith.addi %parallel_loop3A_318, %parallel_loop3A_317 : i32
      %parallel_loop3A_320 = arith.index_cast %parallel_loop3A_319 : i32 to index
      %parallel_loop3A_321 = tpu.vector_load %arg9[%parallel_loop3A_320] {strides = array<i32>} : memref<32768xi32, #tpu.memory_space<vmem>>, vector<16xi32>,
      %parallel_loop3A_322 = arith.constant 16 : i32
      %parallel_loop3A_323 = arith.muli %parallel_loop3A_94, %parallel_loop3A_322 : i32
      %parallel_loop3A_324 = arith.constant 17408 : i32
      %parallel_loop3A_325 = arith.addi %parallel_loop3A_324, %parallel_loop3A_323 : i32
      %parallel_loop3A_326 = arith.index_cast %parallel_loop3A_325 : i32 to index
      %parallel_loop3A_327 = tpu.vector_load %arg9[%parallel_loop3A_326] {strides = array<i32>} : memref<32768xi32, #tpu.memory_space<vmem>>, vector<16xi32>,
      tpu.vector_store %arg9[%parallel_loop3A_326], %parallel_loop3A_315 {strides = array<i32>} : memref<32768xi32, #tpu.memory_space<vmem>>, vector<16xi32>,
      %parallel_loop3A_328 = arith.addi %parallel_loop3A_315, %parallel_loop3A_321 : vector<16xi32>
      %parallel_loop3A_329 = arith.constant 16 : i32
      %parallel_loop3A_330 = arith.muli %parallel_loop3A_94, %parallel_loop3A_329 : i32
      %parallel_loop3A_331 = arith.constant 18432 : i32
      %parallel_loop3A_332 = arith.addi %parallel_loop3A_331, %parallel_loop3A_330 : i32
      %parallel_loop3A_333 = arith.index_cast %parallel_loop3A_332 : i32 to index
      %parallel_loop3A_334 = tpu.vector_load %arg9[%parallel_loop3A_333] {strides = array<i32>} : memref<32768xi32, #tpu.memory_space<vmem>>, vector<16xi32>,
      %parallel_loop3A_335 = arith.constant 16 : i32
      %parallel_loop3A_336 = arith.muli %parallel_loop3A_94, %parallel_loop3A_335 : i32
      %parallel_loop3A_337 = arith.constant 18432 : i32
      %parallel_loop3A_338 = arith.addi %parallel_loop3A_337, %parallel_loop3A_336 : i32
      %parallel_loop3A_339 = arith.index_cast %parallel_loop3A_338 : i32 to index
      %parallel_loop3A_340 = tpu.vector_load %arg9[%parallel_loop3A_339] {strides = array<i32>} : memref<32768xi32, #tpu.memory_space<vmem>>, vector<16xi32>,
      tpu.vector_store %arg9[%parallel_loop3A_339], %parallel_loop3A_328 {strides = array<i32>} : memref<32768xi32, #tpu.memory_space<vmem>>, vector<16xi32>,
      %parallel_loop3A_341 = arith.addi %parallel_loop3A_328, %parallel_loop3A_334 : vector<16xi32>
      %parallel_loop3A_342 = arith.constant 16 : i32
      %parallel_loop3A_343 = arith.muli %parallel_loop3A_94, %parallel_loop3A_342 : i32
      %parallel_loop3A_344 = arith.constant 19456 : i32
      %parallel_loop3A_345 = arith.addi %parallel_loop3A_344, %parallel_loop3A_343 : i32
      %parallel_loop3A_346 = arith.index_cast %parallel_loop3A_345 : i32 to index
      %parallel_loop3A_347 = tpu.vector_load %arg9[%parallel_loop3A_346] {strides = array<i32>} : memref<32768xi32, #tpu.memory_space<vmem>>, vector<16xi32>,
      %parallel_loop3A_348 = arith.constant 16 : i32
      %parallel_loop3A_349 = arith.muli %parallel_loop3A_94, %parallel_loop3A_348 : i32
      %parallel_loop3A_350 = arith.constant 19456 : i32
      %parallel_loop3A_351 = arith.addi %parallel_loop3A_350, %parallel_loop3A_349 : i32
      %parallel_loop3A_352 = arith.index_cast %parallel_loop3A_351 : i32 to index
      %parallel_loop3A_353 = tpu.vector_load %arg9[%parallel_loop3A_352] {strides = array<i32>} : memref<32768xi32, #tpu.memory_space<vmem>>, vector<16xi32>,
      tpu.vector_store %arg9[%parallel_loop3A_352], %parallel_loop3A_341 {strides = array<i32>} : memref<32768xi32, #tpu.memory_space<vmem>>, vector<16xi32>,
      %parallel_loop3A_354 = arith.addi %parallel_loop3A_341, %parallel_loop3A_347 : vector<16xi32>
      %parallel_loop3A_355 = arith.constant 16 : i32
      %parallel_loop3A_356 = arith.muli %parallel_loop3A_94, %parallel_loop3A_355 : i32
      %parallel_loop3A_357 = arith.constant 20480 : i32
      %parallel_loop3A_358 = arith.addi %parallel_loop3A_357, %parallel_loop3A_356 : i32
      %parallel_loop3A_359 = arith.index_cast %parallel_loop3A_358 : i32 to index
      %parallel_loop3A_360 = tpu.vector_load %arg9[%parallel_loop3A_359] {strides = array<i32>} : memref<32768xi32, #tpu.memory_space<vmem>>, vector<16xi32>,
      %parallel_loop3A_361 = arith.constant 16 : i32
      %parallel_loop3A_362 = arith.muli %parallel_loop3A_94, %parallel_loop3A_361 : i32
      %parallel_loop3A_363 = arith.constant 20480 : i32
      %parallel_loop3A_364 = arith.addi %parallel_loop3A_363, %parallel_loop3A_362 : i32
      %parallel_loop3A_365 = arith.index_cast %parallel_loop3A_364 : i32 to index
      %parallel_loop3A_366 = tpu.vector_load %arg9[%parallel_loop3A_365] {strides = array<i32>} : memref<32768xi32, #tpu.memory_space<vmem>>, vector<16xi32>,
      tpu.vector_store %arg9[%parallel_loop3A_365], %parallel_loop3A_354 {strides = array<i32>} : memref<32768xi32, #tpu.memory_space<vmem>>, vector<16xi32>,
      %parallel_loop3A_367 = arith.addi %parallel_loop3A_354, %parallel_loop3A_360 : vector<16xi32>
      %parallel_loop3A_368 = arith.constant 16 : i32
      %parallel_loop3A_369 = arith.muli %parallel_loop3A_94, %parallel_loop3A_368 : i32
      %parallel_loop3A_370 = arith.constant 21504 : i32
      %parallel_loop3A_371 = arith.addi %parallel_loop3A_370, %parallel_loop3A_369 : i32
      %parallel_loop3A_372 = arith.index_cast %parallel_loop3A_371 : i32 to index
      %parallel_loop3A_373 = tpu.vector_load %arg9[%parallel_loop3A_372] {strides = array<i32>} : memref<32768xi32, #tpu.memory_space<vmem>>, vector<16xi32>,
      %parallel_loop3A_374 = arith.constant 16 : i32
      %parallel_loop3A_375 = arith.muli %parallel_loop3A_94, %parallel_loop3A_374 : i32
      %parallel_loop3A_376 = arith.constant 21504 : i32
      %parallel_loop3A_377 = arith.addi %parallel_loop3A_376, %parallel_loop3A_375 : i32
      %parallel_loop3A_378 = arith.index_cast %parallel_loop3A_377 : i32 to index
      %parallel_loop3A_379 = tpu.vector_load %arg9[%parallel_loop3A_378] {strides = array<i32>} : memref<32768xi32, #tpu.memory_space<vmem>>, vector<16xi32>,
      tpu.vector_store %arg9[%parallel_loop3A_378], %parallel_loop3A_367 {strides = array<i32>} : memref<32768xi32, #tpu.memory_space<vmem>>, vector<16xi32>,
      %parallel_loop3A_380 = arith.addi %parallel_loop3A_367, %parallel_loop3A_373 : vector<16xi32>
      %parallel_loop3A_381 = arith.constant 16 : i32
      %parallel_loop3A_382 = arith.muli %parallel_loop3A_94, %parallel_loop3A_381 : i32
      %parallel_loop3A_383 = arith.constant 22528 : i32
      %parallel_loop3A_384 = arith.addi %parallel_loop3A_383, %parallel_loop3A_382 : i32
      %parallel_loop3A_385 = arith.index_cast %parallel_loop3A_384 : i32 to index
      %parallel_loop3A_386 = tpu.vector_load %arg9[%parallel_loop3A_385] {strides = array<i32>} : memref<32768xi32, #tpu.memory_space<vmem>>, vector<16xi32>,
      %parallel_loop3A_387 = arith.constant 16 : i32
      %parallel_loop3A_388 = arith.muli %parallel_loop3A_94, %parallel_loop3A_387 : i32
      %parallel_loop3A_389 = arith.constant 22528 : i32
      %parallel_loop3A_390 = arith.addi %parallel_loop3A_389, %parallel_loop3A_388 : i32
      %parallel_loop3A_391 = arith.index_cast %parallel_loop3A_390 : i32 to index
      %parallel_loop3A_392 = tpu.vector_load %arg9[%parallel_loop3A_391] {strides = array<i32>} : memref<32768xi32, #tpu.memory_space<vmem>>, vector<16xi32>,
      tpu.vector_store %arg9[%parallel_loop3A_391], %parallel_loop3A_380 {strides = array<i32>} : memref<32768xi32, #tpu.memory_space<vmem>>, vector<16xi32>,
      %parallel_loop3A_393 = arith.addi %parallel_loop3A_380, %parallel_loop3A_386 : vector<16xi32>
      %parallel_loop3A_394 = arith.constant 16 : i32
      %parallel_loop3A_395 = arith.muli %parallel_loop3A_94, %parallel_loop3A_394 : i32
      %parallel_loop3A_396 = arith.constant 23552 : i32
      %parallel_loop3A_397 = arith.addi %parallel_loop3A_396, %parallel_loop3A_395 : i32
      %parallel_loop3A_398 = arith.index_cast %parallel_loop3A_397 : i32 to index
      %parallel_loop3A_399 = tpu.vector_load %arg9[%parallel_loop3A_398] {strides = array<i32>} : memref<32768xi32, #tpu.memory_space<vmem>>, vector<16xi32>,
      %parallel_loop3A_400 = arith.constant 16 : i32
      %parallel_loop3A_401 = arith.muli %parallel_loop3A_94, %parallel_loop3A_400 : i32
      %parallel_loop3A_402 = arith.constant 23552 : i32
      %parallel_loop3A_403 = arith.addi %parallel_loop3A_402, %parallel_loop3A_401 : i32
      %parallel_loop3A_404 = arith.index_cast %parallel_loop3A_403 : i32 to index
      %parallel_loop3A_405 = tpu.vector_load %arg9[%parallel_loop3A_404] {strides = array<i32>} : memref<32768xi32, #tpu.memory_space<vmem>>, vector<16xi32>,
      tpu.vector_store %arg9[%parallel_loop3A_404], %parallel_loop3A_393 {strides = array<i32>} : memref<32768xi32, #tpu.memory_space<vmem>>, vector<16xi32>,
      %parallel_loop3A_406 = arith.addi %parallel_loop3A_393, %parallel_loop3A_399 : vector<16xi32>
      %parallel_loop3A_407 = arith.constant 16 : i32
      %parallel_loop3A_408 = arith.muli %parallel_loop3A_94, %parallel_loop3A_407 : i32
      %parallel_loop3A_409 = arith.constant 24576 : i32
      %parallel_loop3A_410 = arith.addi %parallel_loop3A_409, %parallel_loop3A_408 : i32
      %parallel_loop3A_411 = arith.index_cast %parallel_loop3A_410 : i32 to index
      %parallel_loop3A_412 = tpu.vector_load %arg9[%parallel_loop3A_411] {strides = array<i32>} : memref<32768xi32, #tpu.memory_space<vmem>>, vector<16xi32>,
      %parallel_loop3A_413 = arith.constant 16 : i32
      %parallel_loop3A_414 = arith.muli %parallel_loop3A_94, %parallel_loop3A_413 : i32
      %parallel_loop3A_415 = arith.constant 24576 : i32
      %parallel_loop3A_416 = arith.addi %parallel_loop3A_415, %parallel_loop3A_414 : i32
      %parallel_loop3A_417 = arith.index_cast %parallel_loop3A_416 : i32 to index
      %parallel_loop3A_418 = tpu.vector_load %arg9[%parallel_loop3A_417] {strides = array<i32>} : memref<32768xi32, #tpu.memory_space<vmem>>, vector<16xi32>,
      tpu.vector_store %arg9[%parallel_loop3A_417], %parallel_loop3A_406 {strides = array<i32>} : memref<32768xi32, #tpu.memory_space<vmem>>, vector<16xi32>,
      %parallel_loop3A_419 = arith.addi %parallel_loop3A_406, %parallel_loop3A_412 : vector<16xi32>
      %parallel_loop3A_420 = arith.constant 16 : i32
      %parallel_loop3A_421 = arith.muli %parallel_loop3A_94, %parallel_loop3A_420 : i32
      %parallel_loop3A_422 = arith.constant 25600 : i32
      %parallel_loop3A_423 = arith.addi %parallel_loop3A_422, %parallel_loop3A_421 : i32
      %parallel_loop3A_424 = arith.index_cast %parallel_loop3A_423 : i32 to index
      %parallel_loop3A_425 = tpu.vector_load %arg9[%parallel_loop3A_424] {strides = array<i32>} : memref<32768xi32, #tpu.memory_space<vmem>>, vector<16xi32>,
      %parallel_loop3A_426 = arith.constant 16 : i32
      %parallel_loop3A_427 = arith.muli %parallel_loop3A_94, %parallel_loop3A_426 : i32
      %parallel_loop3A_428 = arith.constant 25600 : i32
      %parallel_loop3A_429 = arith.addi %parallel_loop3A_428, %parallel_loop3A_427 : i32
      %parallel_loop3A_430 = arith.index_cast %parallel_loop3A_429 : i32 to index
      %parallel_loop3A_431 = tpu.vector_load %arg9[%parallel_loop3A_430] {strides = array<i32>} : memref<32768xi32, #tpu.memory_space<vmem>>, vector<16xi32>,
      tpu.vector_store %arg9[%parallel_loop3A_430], %parallel_loop3A_419 {strides = array<i32>} : memref<32768xi32, #tpu.memory_space<vmem>>, vector<16xi32>,
      %parallel_loop3A_432 = arith.addi %parallel_loop3A_419, %parallel_loop3A_425 : vector<16xi32>
      %parallel_loop3A_433 = arith.constant 16 : i32
      %parallel_loop3A_434 = arith.muli %parallel_loop3A_94, %parallel_loop3A_433 : i32
      %parallel_loop3A_435 = arith.constant 26624 : i32
      %parallel_loop3A_436 = arith.addi %parallel_loop3A_435, %parallel_loop3A_434 : i32
      %parallel_loop3A_437 = arith.index_cast %parallel_loop3A_436 : i32 to index
      %parallel_loop3A_438 = tpu.vector_load %arg9[%parallel_loop3A_437] {strides = array<i32>} : memref<32768xi32, #tpu.memory_space<vmem>>, vector<16xi32>,
      %parallel_loop3A_439 = arith.constant 16 : i32
      %parallel_loop3A_440 = arith.muli %parallel_loop3A_94, %parallel_loop3A_439 : i32
      %parallel_loop3A_441 = arith.constant 26624 : i32
      %parallel_loop3A_442 = arith.addi %parallel_loop3A_441, %parallel_loop3A_440 : i32
      %parallel_loop3A_443 = arith.index_cast %parallel_loop3A_442 : i32 to index
      %parallel_loop3A_444 = tpu.vector_load %arg9[%parallel_loop3A_443] {strides = array<i32>} : memref<32768xi32, #tpu.memory_space<vmem>>, vector<16xi32>,
      tpu.vector_store %arg9[%parallel_loop3A_443], %parallel_loop3A_432 {strides = array<i32>} : memref<32768xi32, #tpu.memory_space<vmem>>, vector<16xi32>,
      %parallel_loop3A_445 = arith.addi %parallel_loop3A_432, %parallel_loop3A_438 : vector<16xi32>
      %parallel_loop3A_446 = arith.constant 16 : i32
      %parallel_loop3A_447 = arith.muli %parallel_loop3A_94, %parallel_loop3A_446 : i32
      %parallel_loop3A_448 = arith.constant 27648 : i32
      %parallel_loop3A_449 = arith.addi %parallel_loop3A_448, %parallel_loop3A_447 : i32
      %parallel_loop3A_450 = arith.index_cast %parallel_loop3A_449 : i32 to index
      %parallel_loop3A_451 = tpu.vector_load %arg9[%parallel_loop3A_450] {strides = array<i32>} : memref<32768xi32, #tpu.memory_space<vmem>>, vector<16xi32>,
      %parallel_loop3A_452 = arith.constant 16 : i32
      %parallel_loop3A_453 = arith.muli %parallel_loop3A_94, %parallel_loop3A_452 : i32
      %parallel_loop3A_454 = arith.constant 27648 : i32
      %parallel_loop3A_455 = arith.addi %parallel_loop3A_454, %parallel_loop3A_453 : i32
      %parallel_loop3A_456 = arith.index_cast %parallel_loop3A_455 : i32 to index
      %parallel_loop3A_457 = tpu.vector_load %arg9[%parallel_loop3A_456] {strides = array<i32>} : memref<32768xi32, #tpu.memory_space<vmem>>, vector<16xi32>,
      tpu.vector_store %arg9[%parallel_loop3A_456], %parallel_loop3A_445 {strides = array<i32>} : memref<32768xi32, #tpu.memory_space<vmem>>, vector<16xi32>,
      %parallel_loop3A_458 = arith.addi %parallel_loop3A_445, %parallel_loop3A_451 : vector<16xi32>
      %parallel_loop3A_459 = arith.constant 16 : i32
      %parallel_loop3A_460 = arith.muli %parallel_loop3A_94, %parallel_loop3A_459 : i32
      %parallel_loop3A_461 = arith.constant 28672 : i32
      %parallel_loop3A_462 = arith.addi %parallel_loop3A_461, %parallel_loop3A_460 : i32
      %parallel_loop3A_463 = arith.index_cast %parallel_loop3A_462 : i32 to index
      %parallel_loop3A_464 = tpu.vector_load %arg9[%parallel_loop3A_463] {strides = array<i32>} : memref<32768xi32, #tpu.memory_space<vmem>>, vector<16xi32>,
      %parallel_loop3A_465 = arith.constant 16 : i32
      %parallel_loop3A_466 = arith.muli %parallel_loop3A_94, %parallel_loop3A_465 : i32
      %parallel_loop3A_467 = arith.constant 28672 : i32
      %parallel_loop3A_468 = arith.addi %parallel_loop3A_467, %parallel_loop3A_466 : i32
      %parallel_loop3A_469 = arith.index_cast %parallel_loop3A_468 : i32 to index
      %parallel_loop3A_470 = tpu.vector_load %arg9[%parallel_loop3A_469] {strides = array<i32>} : memref<32768xi32, #tpu.memory_space<vmem>>, vector<16xi32>,
      tpu.vector_store %arg9[%parallel_loop3A_469], %parallel_loop3A_458 {strides = array<i32>} : memref<32768xi32, #tpu.memory_space<vmem>>, vector<16xi32>,
      %parallel_loop3A_471 = arith.addi %parallel_loop3A_458, %parallel_loop3A_464 : vector<16xi32>
      %parallel_loop3A_472 = arith.constant 16 : i32
      %parallel_loop3A_473 = arith.muli %parallel_loop3A_94, %parallel_loop3A_472 : i32
      %parallel_loop3A_474 = arith.constant 29696 : i32
      %parallel_loop3A_475 = arith.addi %parallel_loop3A_474, %parallel_loop3A_473 : i32
      %parallel_loop3A_476 = arith.index_cast %parallel_loop3A_475 : i32 to index
      %parallel_loop3A_477 = tpu.vector_load %arg9[%parallel_loop3A_476] {strides = array<i32>} : memref<32768xi32, #tpu.memory_space<vmem>>, vector<16xi32>,
      %parallel_loop3A_478 = arith.constant 16 : i32
      %parallel_loop3A_479 = arith.muli %parallel_loop3A_94, %parallel_loop3A_478 : i32
      %parallel_loop3A_480 = arith.constant 29696 : i32
      %parallel_loop3A_481 = arith.addi %parallel_loop3A_480, %parallel_loop3A_479 : i32
      %parallel_loop3A_482 = arith.index_cast %parallel_loop3A_481 : i32 to index
      %parallel_loop3A_483 = tpu.vector_load %arg9[%parallel_loop3A_482] {strides = array<i32>} : memref<32768xi32, #tpu.memory_space<vmem>>, vector<16xi32>,
      tpu.vector_store %arg9[%parallel_loop3A_482], %parallel_loop3A_471 {strides = array<i32>} : memref<32768xi32, #tpu.memory_space<vmem>>, vector<16xi32>,
      %parallel_loop3A_484 = arith.addi %parallel_loop3A_471, %parallel_loop3A_477 : vector<16xi32>
      %parallel_loop3A_485 = arith.constant 16 : i32
      %parallel_loop3A_486 = arith.muli %parallel_loop3A_94, %parallel_loop3A_485 : i32
      %parallel_loop3A_487 = arith.constant 30720 : i32
      %parallel_loop3A_488 = arith.addi %parallel_loop3A_487, %parallel_loop3A_486 : i32
      %parallel_loop3A_489 = arith.index_cast %parallel_loop3A_488 : i32 to index
      %parallel_loop3A_490 = tpu.vector_load %arg9[%parallel_loop3A_489] {strides = array<i32>} : memref<32768xi32, #tpu.memory_space<vmem>>, vector<16xi32>,
      %parallel_loop3A_491 = arith.constant 16 : i32
      %parallel_loop3A_492 = arith.muli %parallel_loop3A_94, %parallel_loop3A_491 : i32
      %parallel_loop3A_493 = arith.constant 30720 : i32
      %parallel_loop3A_494 = arith.addi %parallel_loop3A_493, %parallel_loop3A_492 : i32
      %parallel_loop3A_495 = arith.index_cast %parallel_loop3A_494 : i32 to index
      %parallel_loop3A_496 = tpu.vector_load %arg9[%parallel_loop3A_495] {strides = array<i32>} : memref<32768xi32, #tpu.memory_space<vmem>>, vector<16xi32>,
      tpu.vector_store %arg9[%parallel_loop3A_495], %parallel_loop3A_484 {strides = array<i32>} : memref<32768xi32, #tpu.memory_space<vmem>>, vector<16xi32>,
      %parallel_loop3A_497 = arith.addi %parallel_loop3A_484, %parallel_loop3A_490 : vector<16xi32>
      %parallel_loop3A_498 = arith.constant 16 : i32
      %parallel_loop3A_499 = arith.muli %parallel_loop3A_94, %parallel_loop3A_498 : i32
      %parallel_loop3A_500 = arith.constant 31744 : i32
      %parallel_loop3A_501 = arith.addi %parallel_loop3A_500, %parallel_loop3A_499 : i32
      %parallel_loop3A_502 = arith.index_cast %parallel_loop3A_501 : i32 to index
      %parallel_loop3A_503 = tpu.vector_load %arg9[%parallel_loop3A_502] {strides = array<i32>} : memref<32768xi32, #tpu.memory_space<vmem>>, vector<16xi32>,
      %parallel_loop3A_504 = arith.constant 16 : i32
      %parallel_loop3A_505 = arith.muli %parallel_loop3A_94, %parallel_loop3A_504 : i32
      %parallel_loop3A_506 = arith.constant 31744 : i32
      %parallel_loop3A_507 = arith.addi %parallel_loop3A_506, %parallel_loop3A_505 : i32
      %parallel_loop3A_508 = arith.index_cast %parallel_loop3A_507 : i32 to index
      %parallel_loop3A_509 = tpu.vector_load %arg9[%parallel_loop3A_508] {strides = array<i32>} : memref<32768xi32, #tpu.memory_space<vmem>>, vector<16xi32>,
      tpu.vector_store %arg9[%parallel_loop3A_508], %parallel_loop3A_497 {strides = array<i32>} : memref<32768xi32, #tpu.memory_space<vmem>>, vector<16xi32>,
      %parallel_loop3A_510 = arith.addi %parallel_loop3A_497, %parallel_loop3A_503 : vector<16xi32>
      %parallel_loop3A_511 = arith.constant 16 : i32
      %parallel_loop3A_512 = arith.muli %parallel_loop3A_94, %parallel_loop3A_511 : i32
      %parallel_loop3A_513 = arith.index_cast %parallel_loop3A_512 : i32 to index
      %parallel_loop3A_514 = tpu.vector_load %arg18[%parallel_loop3A_513] {strides = array<i32>} : memref<1024xi32, #tpu.memory_space<vmem>>, vector<16xi32>,
      tpu.vector_store %arg18[%parallel_loop3A_513], %parallel_loop3A_510 {strides = array<i32>} : memref<1024xi32, #tpu.memory_space<vmem>>, vector<16xi32>,
    } {sc.loop_unroll_factor = 2 : i64, sc.parallel_access}
    %mul3A_47 = arith.constant 1024 : i32
    %mul3A_48 = arith.muli %arg1, %mul3A_47 : i32
    "tpu.region"() ({
      %run_scoped3A = tpu.sem_alloc : memref<!tpu.dma_semaphore, #tpu.memory_space<semaphore_mem>>
      %dma_start3A_94 = tpu.memref_slice %arg22[%mul3A_48] : memref<16384xi32, #tpu.memory_space<vmem_shared>> -> memref<1024xi32, #tpu.memory_space<vmem_shared>>
      %dma_start3A_95 = tpu.memref_slice %arg22[%mul3A_48] : memref<16384xi32, #tpu.memory_space<vmem_shared>> -> memref<1024xi32, #tpu.memory_space<vmem_shared>>
      tpu.enqueue_dma source(%arg18 : memref<1024xi32, #tpu.memory_space<vmem>>) target(%dma_start3A_95 : memref<1024xi32, #tpu.memory_space<vmem_shared>>) target_semaphore(%run_scoped3A : memref<!tpu.dma_semaphore, #tpu.memory_space<semaphore_mem>>)
      %dma_wait3A_96 = tpu.memref_slice %arg22[%mul3A_48] : memref<16384xi32, #tpu.memory_space<vmem_shared>> -> memref<1024xi32, #tpu.memory_space<vmem_shared>>
      %dma_wait3A_97 = tpu.memref_slice %arg22[%mul3A_48] : memref<16384xi32, #tpu.memory_space<vmem_shared>> -> memref<1024xi32, #tpu.memory_space<vmem_shared>>
      tpu.wait_dma2 semaphore(%run_scoped3A : memref<!tpu.dma_semaphore, #tpu.memory_space<semaphore_mem>>) src(%arg18 : memref<1024xi32, #tpu.memory_space<vmem>>) dst(%dma_wait3A_97 : memref<1024xi32, #tpu.memory_space<vmem_shared>>)
      tpu.yield
    }) : () -> ()
    %barrier3A_49 = arith.constant 0 : index
    tpu.barrier barrier_id(%barrier3A_49)
    "tpu.region"() ({
      %run_scoped3A = tpu.sem_alloc : memref<!tpu.dma_semaphore, #tpu.memory_space<semaphore_mem>>
      tpu.enqueue_dma source(%arg22 : memref<16384xi32, #tpu.memory_space<vmem_shared>>) target(%arg21 : memref<16384xi32, #tpu.memory_space<vmem>>) target_semaphore(%run_scoped3A : memref<!tpu.dma_semaphore, #tpu.memory_space<semaphore_mem>>)
      tpu.wait_dma2 semaphore(%run_scoped3A : memref<!tpu.dma_semaphore, #tpu.memory_space<semaphore_mem>>) src(%arg22 : memref<16384xi32, #tpu.memory_space<vmem_shared>>) dst(%arg21 : memref<16384xi32, #tpu.memory_space<vmem>>)
      tpu.yield
    }) : () -> ()
    %parallel_loop3A_50 = arith.constant 0 : i32
    %parallel_loop3A_51 = arith.constant 64 : i32
    %parallel_loop3A_52 = arith.constant 1 : i32
    scf.for %parallel_loop3A_94 = %parallel_loop3A_50 to %parallel_loop3A_51 step %parallel_loop3A_52  : i32 {
      %parallel_loop3A_95 = arith.constant 16 : i32
      %parallel_loop3A_96 = arith.muli %parallel_loop3A_94, %parallel_loop3A_95 : i32
      %parallel_loop3A_97 = arith.constant 16 : i32
      %parallel_loop3A_98 = arith.muli %parallel_loop3A_94, %parallel_loop3A_97 : i32
      %parallel_loop3A_99 = arith.constant 0 : i32
      %parallel_loop3A_100 = arith.addi %parallel_loop3A_99, %parallel_loop3A_98 : i32
      %parallel_loop3A_101 = arith.index_cast %parallel_loop3A_100 : i32 to index
      %parallel_loop3A_102 = tpu.vector_load %arg21[%parallel_loop3A_101] {strides = array<i32>} : memref<16384xi32, #tpu.memory_space<vmem>>, vector<16xi32>,
      %parallel_loop3A_103 = arith.addi %broadcast_in_dim3A_0, %parallel_loop3A_102 : vector<16xi32>
      %parallel_loop3A_104 = arith.constant 0 : i32
      %parallel_loop3A_105 = arith.cmpi sgt, %arg1, %parallel_loop3A_104 : i32
      %parallel_loop3A_106 = arith.constant 0 : i32
      %parallel_loop3A_107 = vector.broadcast %parallel_loop3A_106 : i32 to vector<16xi32>
      %parallel_loop3A_108 = arith.select %parallel_loop3A_105, %parallel_loop3A_102, %parallel_loop3A_107 : vector<16xi32>
      %parallel_loop3A_109 = arith.addi %broadcast_in_dim3A_0, %parallel_loop3A_108 : vector<16xi32>
      %parallel_loop3A_110 = arith.constant 16 : i32
      %parallel_loop3A_111 = arith.muli %parallel_loop3A_94, %parallel_loop3A_110 : i32
      %parallel_loop3A_112 = arith.constant 1024 : i32
      %parallel_loop3A_113 = arith.addi %parallel_loop3A_112, %parallel_loop3A_111 : i32
      %parallel_loop3A_114 = arith.index_cast %parallel_loop3A_113 : i32 to index
      %parallel_loop3A_115 = tpu.vector_load %arg21[%parallel_loop3A_114] {strides = array<i32>} : memref<16384xi32, #tpu.memory_space<vmem>>, vector<16xi32>,
      %parallel_loop3A_116 = arith.addi %parallel_loop3A_103, %parallel_loop3A_115 : vector<16xi32>
      %parallel_loop3A_117 = arith.constant 1 : i32
      %parallel_loop3A_118 = arith.cmpi sgt, %arg1, %parallel_loop3A_117 : i32
      %parallel_loop3A_119 = arith.constant 0 : i32
      %parallel_loop3A_120 = vector.broadcast %parallel_loop3A_119 : i32 to vector<16xi32>
      %parallel_loop3A_121 = arith.select %parallel_loop3A_118, %parallel_loop3A_115, %parallel_loop3A_120 : vector<16xi32>
      %parallel_loop3A_122 = arith.addi %parallel_loop3A_109, %parallel_loop3A_121 : vector<16xi32>
      %parallel_loop3A_123 = arith.constant 16 : i32
      %parallel_loop3A_124 = arith.muli %parallel_loop3A_94, %parallel_loop3A_123 : i32
      %parallel_loop3A_125 = arith.constant 2048 : i32
      %parallel_loop3A_126 = arith.addi %parallel_loop3A_125, %parallel_loop3A_124 : i32
      %parallel_loop3A_127 = arith.index_cast %parallel_loop3A_126 : i32 to index
      %parallel_loop3A_128 = tpu.vector_load %arg21[%parallel_loop3A_127] {strides = array<i32>} : memref<16384xi32, #tpu.memory_space<vmem>>, vector<16xi32>,
      %parallel_loop3A_129 = arith.addi %parallel_loop3A_116, %parallel_loop3A_128 : vector<16xi32>
      %parallel_loop3A_130 = arith.constant 2 : i32
      %parallel_loop3A_131 = arith.cmpi sgt, %arg1, %parallel_loop3A_130 : i32
      %parallel_loop3A_132 = arith.constant 0 : i32
      %parallel_loop3A_133 = vector.broadcast %parallel_loop3A_132 : i32 to vector<16xi32>
      %parallel_loop3A_134 = arith.select %parallel_loop3A_131, %parallel_loop3A_128, %parallel_loop3A_133 : vector<16xi32>
      %parallel_loop3A_135 = arith.addi %parallel_loop3A_122, %parallel_loop3A_134 : vector<16xi32>
      %parallel_loop3A_136 = arith.constant 16 : i32
      %parallel_loop3A_137 = arith.muli %parallel_loop3A_94, %parallel_loop3A_136 : i32
      %parallel_loop3A_138 = arith.constant 3072 : i32
      %parallel_loop3A_139 = arith.addi %parallel_loop3A_138, %parallel_loop3A_137 : i32
      %parallel_loop3A_140 = arith.index_cast %parallel_loop3A_139 : i32 to index
      %parallel_loop3A_141 = tpu.vector_load %arg21[%parallel_loop3A_140] {strides = array<i32>} : memref<16384xi32, #tpu.memory_space<vmem>>, vector<16xi32>,
      %parallel_loop3A_142 = arith.addi %parallel_loop3A_129, %parallel_loop3A_141 : vector<16xi32>
      %parallel_loop3A_143 = arith.constant 3 : i32
      %parallel_loop3A_144 = arith.cmpi sgt, %arg1, %parallel_loop3A_143 : i32
      %parallel_loop3A_145 = arith.constant 0 : i32
      %parallel_loop3A_146 = vector.broadcast %parallel_loop3A_145 : i32 to vector<16xi32>
      %parallel_loop3A_147 = arith.select %parallel_loop3A_144, %parallel_loop3A_141, %parallel_loop3A_146 : vector<16xi32>
      %parallel_loop3A_148 = arith.addi %parallel_loop3A_135, %parallel_loop3A_147 : vector<16xi32>
      %parallel_loop3A_149 = arith.constant 16 : i32
      %parallel_loop3A_150 = arith.muli %parallel_loop3A_94, %parallel_loop3A_149 : i32
      %parallel_loop3A_151 = arith.constant 4096 : i32
      %parallel_loop3A_152 = arith.addi %parallel_loop3A_151, %parallel_loop3A_150 : i32
      %parallel_loop3A_153 = arith.index_cast %parallel_loop3A_152 : i32 to index
      %parallel_loop3A_154 = tpu.vector_load %arg21[%parallel_loop3A_153] {strides = array<i32>} : memref<16384xi32, #tpu.memory_space<vmem>>, vector<16xi32>,
      %parallel_loop3A_155 = arith.addi %parallel_loop3A_142, %parallel_loop3A_154 : vector<16xi32>
      %parallel_loop3A_156 = arith.constant 4 : i32
      %parallel_loop3A_157 = arith.cmpi sgt, %arg1, %parallel_loop3A_156 : i32
      %parallel_loop3A_158 = arith.constant 0 : i32
      %parallel_loop3A_159 = vector.broadcast %parallel_loop3A_158 : i32 to vector<16xi32>
      %parallel_loop3A_160 = arith.select %parallel_loop3A_157, %parallel_loop3A_154, %parallel_loop3A_159 : vector<16xi32>
      %parallel_loop3A_161 = arith.addi %parallel_loop3A_148, %parallel_loop3A_160 : vector<16xi32>
      %parallel_loop3A_162 = arith.constant 16 : i32
      %parallel_loop3A_163 = arith.muli %parallel_loop3A_94, %parallel_loop3A_162 : i32
      %parallel_loop3A_164 = arith.constant 5120 : i32
      %parallel_loop3A_165 = arith.addi %parallel_loop3A_164, %parallel_loop3A_163 : i32
      %parallel_loop3A_166 = arith.index_cast %parallel_loop3A_165 : i32 to index
      %parallel_loop3A_167 = tpu.vector_load %arg21[%parallel_loop3A_166] {strides = array<i32>} : memref<16384xi32, #tpu.memory_space<vmem>>, vector<16xi32>,
      %parallel_loop3A_168 = arith.addi %parallel_loop3A_155, %parallel_loop3A_167 : vector<16xi32>
      %parallel_loop3A_169 = arith.constant 5 : i32
      %parallel_loop3A_170 = arith.cmpi sgt, %arg1, %parallel_loop3A_169 : i32
      %parallel_loop3A_171 = arith.constant 0 : i32
      %parallel_loop3A_172 = vector.broadcast %parallel_loop3A_171 : i32 to vector<16xi32>
      %parallel_loop3A_173 = arith.select %parallel_loop3A_170, %parallel_loop3A_167, %parallel_loop3A_172 : vector<16xi32>
      %parallel_loop3A_174 = arith.addi %parallel_loop3A_161, %parallel_loop3A_173 : vector<16xi32>
      %parallel_loop3A_175 = arith.constant 16 : i32
      %parallel_loop3A_176 = arith.muli %parallel_loop3A_94, %parallel_loop3A_175 : i32
      %parallel_loop3A_177 = arith.constant 6144 : i32
      %parallel_loop3A_178 = arith.addi %parallel_loop3A_177, %parallel_loop3A_176 : i32
      %parallel_loop3A_179 = arith.index_cast %parallel_loop3A_178 : i32 to index
      %parallel_loop3A_180 = tpu.vector_load %arg21[%parallel_loop3A_179] {strides = array<i32>} : memref<16384xi32, #tpu.memory_space<vmem>>, vector<16xi32>,
      %parallel_loop3A_181 = arith.addi %parallel_loop3A_168, %parallel_loop3A_180 : vector<16xi32>
      %parallel_loop3A_182 = arith.constant 6 : i32
      %parallel_loop3A_183 = arith.cmpi sgt, %arg1, %parallel_loop3A_182 : i32
      %parallel_loop3A_184 = arith.constant 0 : i32
      %parallel_loop3A_185 = vector.broadcast %parallel_loop3A_184 : i32 to vector<16xi32>
      %parallel_loop3A_186 = arith.select %parallel_loop3A_183, %parallel_loop3A_180, %parallel_loop3A_185 : vector<16xi32>
      %parallel_loop3A_187 = arith.addi %parallel_loop3A_174, %parallel_loop3A_186 : vector<16xi32>
      %parallel_loop3A_188 = arith.constant 16 : i32
      %parallel_loop3A_189 = arith.muli %parallel_loop3A_94, %parallel_loop3A_188 : i32
      %parallel_loop3A_190 = arith.constant 7168 : i32
      %parallel_loop3A_191 = arith.addi %parallel_loop3A_190, %parallel_loop3A_189 : i32
      %parallel_loop3A_192 = arith.index_cast %parallel_loop3A_191 : i32 to index
      %parallel_loop3A_193 = tpu.vector_load %arg21[%parallel_loop3A_192] {strides = array<i32>} : memref<16384xi32, #tpu.memory_space<vmem>>, vector<16xi32>,
      %parallel_loop3A_194 = arith.addi %parallel_loop3A_181, %parallel_loop3A_193 : vector<16xi32>
      %parallel_loop3A_195 = arith.constant 7 : i32
      %parallel_loop3A_196 = arith.cmpi sgt, %arg1, %parallel_loop3A_195 : i32
      %parallel_loop3A_197 = arith.constant 0 : i32
      %parallel_loop3A_198 = vector.broadcast %parallel_loop3A_197 : i32 to vector<16xi32>
      %parallel_loop3A_199 = arith.select %parallel_loop3A_196, %parallel_loop3A_193, %parallel_loop3A_198 : vector<16xi32>
      %parallel_loop3A_200 = arith.addi %parallel_loop3A_187, %parallel_loop3A_199 : vector<16xi32>
      %parallel_loop3A_201 = arith.constant 16 : i32
      %parallel_loop3A_202 = arith.muli %parallel_loop3A_94, %parallel_loop3A_201 : i32
      %parallel_loop3A_203 = arith.constant 8192 : i32
      %parallel_loop3A_204 = arith.addi %parallel_loop3A_203, %parallel_loop3A_202 : i32
      %parallel_loop3A_205 = arith.index_cast %parallel_loop3A_204 : i32 to index
      %parallel_loop3A_206 = tpu.vector_load %arg21[%parallel_loop3A_205] {strides = array<i32>} : memref<16384xi32, #tpu.memory_space<vmem>>, vector<16xi32>,
      %parallel_loop3A_207 = arith.addi %parallel_loop3A_194, %parallel_loop3A_206 : vector<16xi32>
      %parallel_loop3A_208 = arith.constant 8 : i32
      %parallel_loop3A_209 = arith.cmpi sgt, %arg1, %parallel_loop3A_208 : i32
      %parallel_loop3A_210 = arith.constant 0 : i32
      %parallel_loop3A_211 = vector.broadcast %parallel_loop3A_210 : i32 to vector<16xi32>
      %parallel_loop3A_212 = arith.select %parallel_loop3A_209, %parallel_loop3A_206, %parallel_loop3A_211 : vector<16xi32>
      %parallel_loop3A_213 = arith.addi %parallel_loop3A_200, %parallel_loop3A_212 : vector<16xi32>
      %parallel_loop3A_214 = arith.constant 16 : i32
      %parallel_loop3A_215 = arith.muli %parallel_loop3A_94, %parallel_loop3A_214 : i32
      %parallel_loop3A_216 = arith.constant 9216 : i32
      %parallel_loop3A_217 = arith.addi %parallel_loop3A_216, %parallel_loop3A_215 : i32
      %parallel_loop3A_218 = arith.index_cast %parallel_loop3A_217 : i32 to index
      %parallel_loop3A_219 = tpu.vector_load %arg21[%parallel_loop3A_218] {strides = array<i32>} : memref<16384xi32, #tpu.memory_space<vmem>>, vector<16xi32>,
      %parallel_loop3A_220 = arith.addi %parallel_loop3A_207, %parallel_loop3A_219 : vector<16xi32>
      %parallel_loop3A_221 = arith.constant 9 : i32
      %parallel_loop3A_222 = arith.cmpi sgt, %arg1, %parallel_loop3A_221 : i32
      %parallel_loop3A_223 = arith.constant 0 : i32
      %parallel_loop3A_224 = vector.broadcast %parallel_loop3A_223 : i32 to vector<16xi32>
      %parallel_loop3A_225 = arith.select %parallel_loop3A_222, %parallel_loop3A_219, %parallel_loop3A_224 : vector<16xi32>
      %parallel_loop3A_226 = arith.addi %parallel_loop3A_213, %parallel_loop3A_225 : vector<16xi32>
      %parallel_loop3A_227 = arith.constant 16 : i32
      %parallel_loop3A_228 = arith.muli %parallel_loop3A_94, %parallel_loop3A_227 : i32
      %parallel_loop3A_229 = arith.constant 10240 : i32
      %parallel_loop3A_230 = arith.addi %parallel_loop3A_229, %parallel_loop3A_228 : i32
      %parallel_loop3A_231 = arith.index_cast %parallel_loop3A_230 : i32 to index
      %parallel_loop3A_232 = tpu.vector_load %arg21[%parallel_loop3A_231] {strides = array<i32>} : memref<16384xi32, #tpu.memory_space<vmem>>, vector<16xi32>,
      %parallel_loop3A_233 = arith.addi %parallel_loop3A_220, %parallel_loop3A_232 : vector<16xi32>
      %parallel_loop3A_234 = arith.constant 10 : i32
      %parallel_loop3A_235 = arith.cmpi sgt, %arg1, %parallel_loop3A_234 : i32
      %parallel_loop3A_236 = arith.constant 0 : i32
      %parallel_loop3A_237 = vector.broadcast %parallel_loop3A_236 : i32 to vector<16xi32>
      %parallel_loop3A_238 = arith.select %parallel_loop3A_235, %parallel_loop3A_232, %parallel_loop3A_237 : vector<16xi32>
      %parallel_loop3A_239 = arith.addi %parallel_loop3A_226, %parallel_loop3A_238 : vector<16xi32>
      %parallel_loop3A_240 = arith.constant 16 : i32
      %parallel_loop3A_241 = arith.muli %parallel_loop3A_94, %parallel_loop3A_240 : i32
      %parallel_loop3A_242 = arith.constant 11264 : i32
      %parallel_loop3A_243 = arith.addi %parallel_loop3A_242, %parallel_loop3A_241 : i32
      %parallel_loop3A_244 = arith.index_cast %parallel_loop3A_243 : i32 to index
      %parallel_loop3A_245 = tpu.vector_load %arg21[%parallel_loop3A_244] {strides = array<i32>} : memref<16384xi32, #tpu.memory_space<vmem>>, vector<16xi32>,
      %parallel_loop3A_246 = arith.addi %parallel_loop3A_233, %parallel_loop3A_245 : vector<16xi32>
      %parallel_loop3A_247 = arith.constant 11 : i32
      %parallel_loop3A_248 = arith.cmpi sgt, %arg1, %parallel_loop3A_247 : i32
      %parallel_loop3A_249 = arith.constant 0 : i32
      %parallel_loop3A_250 = vector.broadcast %parallel_loop3A_249 : i32 to vector<16xi32>
      %parallel_loop3A_251 = arith.select %parallel_loop3A_248, %parallel_loop3A_245, %parallel_loop3A_250 : vector<16xi32>
      %parallel_loop3A_252 = arith.addi %parallel_loop3A_239, %parallel_loop3A_251 : vector<16xi32>
      %parallel_loop3A_253 = arith.constant 16 : i32
      %parallel_loop3A_254 = arith.muli %parallel_loop3A_94, %parallel_loop3A_253 : i32
      %parallel_loop3A_255 = arith.constant 12288 : i32
      %parallel_loop3A_256 = arith.addi %parallel_loop3A_255, %parallel_loop3A_254 : i32
      %parallel_loop3A_257 = arith.index_cast %parallel_loop3A_256 : i32 to index
      %parallel_loop3A_258 = tpu.vector_load %arg21[%parallel_loop3A_257] {strides = array<i32>} : memref<16384xi32, #tpu.memory_space<vmem>>, vector<16xi32>,
      %parallel_loop3A_259 = arith.addi %parallel_loop3A_246, %parallel_loop3A_258 : vector<16xi32>
      %parallel_loop3A_260 = arith.constant 12 : i32
      %parallel_loop3A_261 = arith.cmpi sgt, %arg1, %parallel_loop3A_260 : i32
      %parallel_loop3A_262 = arith.constant 0 : i32
      %parallel_loop3A_263 = vector.broadcast %parallel_loop3A_262 : i32 to vector<16xi32>
      %parallel_loop3A_264 = arith.select %parallel_loop3A_261, %parallel_loop3A_258, %parallel_loop3A_263 : vector<16xi32>
      %parallel_loop3A_265 = arith.addi %parallel_loop3A_252, %parallel_loop3A_264 : vector<16xi32>
      %parallel_loop3A_266 = arith.constant 16 : i32
      %parallel_loop3A_267 = arith.muli %parallel_loop3A_94, %parallel_loop3A_266 : i32
      %parallel_loop3A_268 = arith.constant 13312 : i32
      %parallel_loop3A_269 = arith.addi %parallel_loop3A_268, %parallel_loop3A_267 : i32
      %parallel_loop3A_270 = arith.index_cast %parallel_loop3A_269 : i32 to index
      %parallel_loop3A_271 = tpu.vector_load %arg21[%parallel_loop3A_270] {strides = array<i32>} : memref<16384xi32, #tpu.memory_space<vmem>>, vector<16xi32>,
      %parallel_loop3A_272 = arith.addi %parallel_loop3A_259, %parallel_loop3A_271 : vector<16xi32>
      %parallel_loop3A_273 = arith.constant 13 : i32
      %parallel_loop3A_274 = arith.cmpi sgt, %arg1, %parallel_loop3A_273 : i32
      %parallel_loop3A_275 = arith.constant 0 : i32
      %parallel_loop3A_276 = vector.broadcast %parallel_loop3A_275 : i32 to vector<16xi32>
      %parallel_loop3A_277 = arith.select %parallel_loop3A_274, %parallel_loop3A_271, %parallel_loop3A_276 : vector<16xi32>
      %parallel_loop3A_278 = arith.addi %parallel_loop3A_265, %parallel_loop3A_277 : vector<16xi32>
      %parallel_loop3A_279 = arith.constant 16 : i32
      %parallel_loop3A_280 = arith.muli %parallel_loop3A_94, %parallel_loop3A_279 : i32
      %parallel_loop3A_281 = arith.constant 14336 : i32
      %parallel_loop3A_282 = arith.addi %parallel_loop3A_281, %parallel_loop3A_280 : i32
      %parallel_loop3A_283 = arith.index_cast %parallel_loop3A_282 : i32 to index
      %parallel_loop3A_284 = tpu.vector_load %arg21[%parallel_loop3A_283] {strides = array<i32>} : memref<16384xi32, #tpu.memory_space<vmem>>, vector<16xi32>,
      %parallel_loop3A_285 = arith.addi %parallel_loop3A_272, %parallel_loop3A_284 : vector<16xi32>
      %parallel_loop3A_286 = arith.constant 14 : i32
      %parallel_loop3A_287 = arith.cmpi sgt, %arg1, %parallel_loop3A_286 : i32
      %parallel_loop3A_288 = arith.constant 0 : i32
      %parallel_loop3A_289 = vector.broadcast %parallel_loop3A_288 : i32 to vector<16xi32>
      %parallel_loop3A_290 = arith.select %parallel_loop3A_287, %parallel_loop3A_284, %parallel_loop3A_289 : vector<16xi32>
      %parallel_loop3A_291 = arith.addi %parallel_loop3A_278, %parallel_loop3A_290 : vector<16xi32>
      %parallel_loop3A_292 = arith.constant 16 : i32
      %parallel_loop3A_293 = arith.muli %parallel_loop3A_94, %parallel_loop3A_292 : i32
      %parallel_loop3A_294 = arith.constant 15360 : i32
      %parallel_loop3A_295 = arith.addi %parallel_loop3A_294, %parallel_loop3A_293 : i32
      %parallel_loop3A_296 = arith.index_cast %parallel_loop3A_295 : i32 to index
      %parallel_loop3A_297 = tpu.vector_load %arg21[%parallel_loop3A_296] {strides = array<i32>} : memref<16384xi32, #tpu.memory_space<vmem>>, vector<16xi32>,
      %parallel_loop3A_298 = arith.addi %parallel_loop3A_285, %parallel_loop3A_297 : vector<16xi32>
      %parallel_loop3A_299 = arith.constant 15 : i32
      %parallel_loop3A_300 = arith.cmpi sgt, %arg1, %parallel_loop3A_299 : i32
      %parallel_loop3A_301 = arith.constant 0 : i32
      %parallel_loop3A_302 = vector.broadcast %parallel_loop3A_301 : i32 to vector<16xi32>
      %parallel_loop3A_303 = arith.select %parallel_loop3A_300, %parallel_loop3A_297, %parallel_loop3A_302 : vector<16xi32>
      %parallel_loop3A_304 = arith.addi %parallel_loop3A_291, %parallel_loop3A_303 : vector<16xi32>
      %parallel_loop3A_305 = arith.index_cast %parallel_loop3A_96 : i32 to index
      %parallel_loop3A_306 = tpu.vector_load %arg10[%parallel_loop3A_305] {strides = array<i32>} : memref<1024xi32, #tpu.memory_space<vmem>>, vector<16xi32>,
      tpu.vector_store %arg10[%parallel_loop3A_305], %parallel_loop3A_298 {strides = array<i32>} : memref<1024xi32, #tpu.memory_space<vmem>>, vector<16xi32>,
      %parallel_loop3A_307 = arith.index_cast %parallel_loop3A_96 : i32 to index
      %parallel_loop3A_308 = tpu.vector_load %arg12[%parallel_loop3A_307] {strides = array<i32>} : memref<1024xi32, #tpu.memory_space<vmem>>, vector<16xi32>,
      tpu.vector_store %arg12[%parallel_loop3A_307], %parallel_loop3A_304 {strides = array<i32>} : memref<1024xi32, #tpu.memory_space<vmem>>, vector<16xi32>,
    } {sc.loop_unroll_factor = 2 : i64, sc.parallel_access}
    %parallel_loop3A_53 = arith.constant 0 : i32
    %parallel_loop3A_54 = arith.constant 64 : i32
    %parallel_loop3A_55 = arith.constant 1 : i32
    %parallel_loop3A_56 = arith.constant 0 : i32
    %parallel_loop3A_57 = scf.for %parallel_loop3A_94 = %parallel_loop3A_53 to %parallel_loop3A_54 step %parallel_loop3A_55 iter_args(%parallel_loop3A_95 = %parallel_loop3A_56) -> (i32)  : i32 {
      %parallel_loop3A_96 = arith.constant 16 : i32
      %parallel_loop3A_97 = arith.muli %parallel_loop3A_94, %parallel_loop3A_96 : i32
      %parallel_loop3A_98 = arith.index_cast %parallel_loop3A_97 : i32 to index
      %parallel_loop3A_99 = tpu.vector_load %arg10[%parallel_loop3A_98] {strides = array<i32>} : memref<1024xi32, #tpu.memory_space<vmem>>, vector<16xi32>,
      %parallel_loop3A_100 = arith.constant true
      %parallel_loop3A_101 = vector.broadcast %parallel_loop3A_100 : i1 to vector<16xi1>
      %parallel_loop3A_102 = tpu.scan <sum>, %parallel_loop3A_99 masked %parallel_loop3A_101 : vector<16xi32>, vector<16xi1> -> vector<16xi32>
      %parallel_loop3A_103 = vector.broadcast %parallel_loop3A_95 : i32 to vector<16xi32>
      %parallel_loop3A_104 = arith.addi %parallel_loop3A_102, %parallel_loop3A_103 : vector<16xi32>
      %parallel_loop3A_105 = arith.constant 100353 : i32
      %parallel_loop3A_106 = vector.broadcast %parallel_loop3A_105 : i32 to vector<16xi32>
      %parallel_loop3A_107 = arith.subi %parallel_loop3A_106, %parallel_loop3A_104 : vector<16xi32>
      %parallel_loop3A_108 = arith.index_cast %parallel_loop3A_97 : i32 to index
      %parallel_loop3A_109 = tpu.vector_load %arg12[%parallel_loop3A_108] {strides = array<i32>} : memref<1024xi32, #tpu.memory_space<vmem>>, vector<16xi32>,
      %parallel_loop3A_110 = arith.addi %parallel_loop3A_107, %parallel_loop3A_109 : vector<16xi32>
      %parallel_loop3A_111 = arith.index_cast %parallel_loop3A_97 : i32 to index
      %parallel_loop3A_112 = tpu.vector_load %arg7[%parallel_loop3A_111] {strides = array<i32>} : memref<1024xi32, #tpu.memory_space<vmem>>, vector<16xi32>,
      tpu.vector_store %arg7[%parallel_loop3A_111], %parallel_loop3A_110 {strides = array<i32>} : memref<1024xi32, #tpu.memory_space<vmem>>, vector<16xi32>,
      %parallel_loop3A_113 = arith.constant true
      %parallel_loop3A_114 = vector.broadcast %parallel_loop3A_113 : i1 to vector<16xi1>
      %parallel_loop3A_115 = tpu.scan <sum>, %parallel_loop3A_99 masked %parallel_loop3A_114 : vector<16xi32>, vector<16xi1> -> vector<16xi32>
      %parallel_loop3A_116 = vector.extract %parallel_loop3A_115[15] : i32 from vector<16xi32>
      %parallel_loop3A_117 = arith.addi %parallel_loop3A_95, %parallel_loop3A_116 : i32
      scf.yield %parallel_loop3A_117 : i32
    } {sc.loop_unroll_factor = 1 : i64, sc.parallel_access}
    %parallel_loop3A_58 = arith.constant 0 : i32
    %parallel_loop3A_59 = arith.constant 196 : i32
    %parallel_loop3A_60 = arith.constant 1 : i32
    scf.for %parallel_loop3A_94 = %parallel_loop3A_58 to %parallel_loop3A_59 step %parallel_loop3A_60  : i32 {
      %parallel_loop3A_95 = arith.constant 0 : i32
      %parallel_loop3A_96 = arith.addi %parallel_loop3A_95, %parallel_loop3A_94 : i32
      %parallel_loop3A_97 = vector.broadcast %parallel_loop3A_96 : i32 to vector<16xi32>
      %parallel_loop3A_98 = arith.addi %mul3A_28, %parallel_loop3A_97 : vector<16xi32>
      %parallel_loop3A_99 = tpu.vector_load_idx %arg17[%parallel_loop3A_98] : memref<6272xi32, #tpu.memory_space<vmem>>[vector<16xi32>], vector<16xi32>,
      %parallel_loop3A_100 = arith.constant 1023 : i32
      %parallel_loop3A_101 = vector.broadcast %parallel_loop3A_100 : i32 to vector<16xi32>
      %parallel_loop3A_102 = arith.andi %parallel_loop3A_99, %parallel_loop3A_101 : vector<16xi32>
      %parallel_loop3A_103 = arith.constant 10 : i32
      %parallel_loop3A_104 = vector.broadcast %parallel_loop3A_103 : i32 to vector<16xi32>
      %parallel_loop3A_105 = arith.shrui %parallel_loop3A_99, %parallel_loop3A_104 : vector<16xi32>
      %parallel_loop3A_106 = tpu.vector_load_idx %arg7[%parallel_loop3A_102] : memref<1024xi32, #tpu.memory_space<vmem>>[vector<16xi32>], vector<16xi32>,
      %parallel_loop3A_107 = arith.constant 0 : i32
      %parallel_loop3A_108 = vector.broadcast %parallel_loop3A_107 : i32 to vector<16xi32>
      %parallel_loop3A_109 = arith.addi %parallel_loop3A_108, %parallel_loop3A_102 : vector<16xi32>
      %parallel_loop3A_110 = arith.addi %mul3A_7, %parallel_loop3A_109 : vector<16xi32>
      %parallel_loop3A_111 = tpu.vector_load_idx %arg9[%parallel_loop3A_110] : memref<32768xi32, #tpu.memory_space<vmem>>[vector<16xi32>], vector<16xi32>,
      %parallel_loop3A_112 = arith.addi %parallel_loop3A_106, %parallel_loop3A_111 : vector<16xi32>
      %parallel_loop3A_113 = arith.addi %parallel_loop3A_112, %parallel_loop3A_105 : vector<16xi32>
      %parallel_loop3A_114 = arith.sitofp %parallel_loop3A_113 : vector<16xi32> to vector<16xf32>
      %parallel_loop3A_115 = arith.constant 1.000000e+00 : f32
      %parallel_loop3A_116 = vector.broadcast %parallel_loop3A_115 : f32 to vector<16xf32>
      %parallel_loop3A_117 = arith.divf %parallel_loop3A_116, %parallel_loop3A_114 : vector<16xf32>
      tpu.vector_store_idx %arg16[%parallel_loop3A_98], %parallel_loop3A_117 : memref<6272xf32, #tpu.memory_space<vmem>>[vector<16xi32>], vector<16xf32>,
      %parallel_loop3A_118 = arith.constant 3136 : i32
      %parallel_loop3A_119 = arith.addi %parallel_loop3A_118, %parallel_loop3A_94 : i32
      %parallel_loop3A_120 = vector.broadcast %parallel_loop3A_119 : i32 to vector<16xi32>
      %parallel_loop3A_121 = arith.addi %mul3A_28, %parallel_loop3A_120 : vector<16xi32>
      %parallel_loop3A_122 = tpu.vector_load_idx %arg17[%parallel_loop3A_121] : memref<6272xi32, #tpu.memory_space<vmem>>[vector<16xi32>], vector<16xi32>,
      %parallel_loop3A_123 = arith.constant 1023 : i32
      %parallel_loop3A_124 = vector.broadcast %parallel_loop3A_123 : i32 to vector<16xi32>
      %parallel_loop3A_125 = arith.andi %parallel_loop3A_122, %parallel_loop3A_124 : vector<16xi32>
      %parallel_loop3A_126 = arith.constant 10 : i32
      %parallel_loop3A_127 = vector.broadcast %parallel_loop3A_126 : i32 to vector<16xi32>
      %parallel_loop3A_128 = arith.shrui %parallel_loop3A_122, %parallel_loop3A_127 : vector<16xi32>
      %parallel_loop3A_129 = tpu.vector_load_idx %arg7[%parallel_loop3A_125] : memref<1024xi32, #tpu.memory_space<vmem>>[vector<16xi32>], vector<16xi32>,
      %parallel_loop3A_130 = arith.constant 16384 : i32
      %parallel_loop3A_131 = vector.broadcast %parallel_loop3A_130 : i32 to vector<16xi32>
      %parallel_loop3A_132 = arith.addi %parallel_loop3A_131, %parallel_loop3A_125 : vector<16xi32>
      %parallel_loop3A_133 = arith.addi %mul3A_7, %parallel_loop3A_132 : vector<16xi32>
      %parallel_loop3A_134 = tpu.vector_load_idx %arg9[%parallel_loop3A_133] : memref<32768xi32, #tpu.memory_space<vmem>>[vector<16xi32>], vector<16xi32>,
      %parallel_loop3A_135 = arith.addi %parallel_loop3A_129, %parallel_loop3A_134 : vector<16xi32>
      %parallel_loop3A_136 = arith.addi %parallel_loop3A_135, %parallel_loop3A_128 : vector<16xi32>
      %parallel_loop3A_137 = arith.sitofp %parallel_loop3A_136 : vector<16xi32> to vector<16xf32>
      %parallel_loop3A_138 = arith.constant 1.000000e+00 : f32
      %parallel_loop3A_139 = vector.broadcast %parallel_loop3A_138 : f32 to vector<16xf32>
      %parallel_loop3A_140 = arith.divf %parallel_loop3A_139, %parallel_loop3A_137 : vector<16xf32>
      tpu.vector_store_idx %arg16[%parallel_loop3A_121], %parallel_loop3A_140 : memref<6272xf32, #tpu.memory_space<vmem>>[vector<16xi32>], vector<16xf32>,
    } {sc.loop_unroll_factor = 4 : i64, sc.parallel_access}
    %ge3A = arith.constant 1024 : i32
    %ge3A_61 = arith.cmpi sge, %reduce_max3A_43, %ge3A : i32
    %convert_element_type3A = arith.extui %ge3A_61 : i1 to i32
    %cond3A = arith.constant 0 : i32
    %cond3A_62 = arith.cmpi ne, %convert_element_type3A, %cond3A : i32
    scf.if %cond3A_62 {
      %scan3A_94 = arith.constant 0 : i32
      %scan3A_95 = arith.constant 0 : i32
      %scan3A_96 = arith.constant 392 : i32
      %scan3A_97 = arith.addi %scan3A_95, %scan3A_96 : i32
      %scan3A_98 = arith.constant 1 : i32
      %scan3A_99 = scf.for %scan3A_101 = %scan3A_95 to %scan3A_97 step %scan3A_98 iter_args(%scan3A_102 = %scan3A_94) -> (i32)  : i32 {
        %add3A_103 = vector.broadcast %scan3A_101 : i32 to vector<16xi32>
        %add3A_104 = arith.addi %mul3A_4, %add3A_103 : vector<16xi32>
        %gather3A_105 = tpu.vector_load_idx %arg6[%add3A_104] : memref<6272xi32, #tpu.memory_space<vmem>>[vector<16xi32>], vector<16xi32>,
        %ge3A_106 = arith.constant 1024 : i32
        %ge3A_107 = vector.broadcast %ge3A_106 : i32 to vector<16xi32>
        %ge3A_108 = arith.cmpi sge, %gather3A_105, %ge3A_107 : vector<16xi32>
        %convert_element_type3A_109 = arith.extui %ge3A_108 : vector<16xi1> to vector<16xi32>
        %reduce_sum3A = arith.constant true
        %reduce_sum3A_110 = vector.broadcast %reduce_sum3A : i1 to vector<16xi1>
        %reduce_sum3A_111 = tpu.scan <sum>, %convert_element_type3A_109 masked %reduce_sum3A_110 : vector<16xi32>, vector<16xi1> -> vector<16xi32>
        %reduce_sum3A_112 = vector.extract %reduce_sum3A_111[15] : i32 from vector<16xi32>
        %gt3A = arith.constant 0 : i32
        %gt3A_113 = arith.cmpi sgt, %reduce_sum3A_112, %gt3A : i32
        %convert_element_type3A_114 = arith.extui %gt3A_113 : i1 to i32
        %cond3A_115 = arith.constant 0 : i32
        %cond3A_116 = arith.cmpi ne, %convert_element_type3A_114, %cond3A_115 : i32
        scf.if %cond3A_116 {
          %scan3A_118 = arith.constant 0 : i32
          %scan3A_119 = arith.constant 0 : i32
          %scan3A_120 = arith.constant 16 : i32
          %scan3A_121 = arith.addi %scan3A_119, %scan3A_120 : i32
          %scan3A_122 = arith.constant 1 : i32
          %scan3A_123 = scf.for %scan3A_125 = %scan3A_119 to %scan3A_121 step %scan3A_122 iter_args(%scan3A_126 = %scan3A_118) -> (i32)  : i32 {
            %eq3A = vector.broadcast %scan3A_125 : i32 to vector<16xi32>
            %eq3A_127 = arith.cmpi eq, %iota3A, %eq3A : vector<16xi32>
            %jit3A = arith.constant 0 : i32
            %broadcast_in_dim3A_128 = vector.broadcast %jit3A : i32 to vector<16xi32>
            %select_n3A = arith.select %eq3A_127, %gather3A_105, %broadcast_in_dim3A_128 : vector<16xi1>, vector<16xi32>
            %reduce_sum3A_129 = arith.constant true
            %reduce_sum3A_130 = vector.broadcast %reduce_sum3A_129 : i1 to vector<16xi1>
            %reduce_sum3A_131 = tpu.scan <sum>, %select_n3A masked %reduce_sum3A_130 : vector<16xi32>, vector<16xi1> -> vector<16xi32>
            %reduce_sum3A_132 = vector.extract %reduce_sum3A_131[15] : i32 from vector<16xi32>
            %ge3A_133 = arith.constant 1024 : i32
            %ge3A_134 = arith.cmpi sge, %reduce_sum3A_132, %ge3A_133 : i32
            %convert_element_type3A_135 = arith.extui %ge3A_134 : i1 to i32
            %cond3A_136 = arith.constant 0 : i32
            %cond3A_137 = arith.cmpi ne, %convert_element_type3A_135, %cond3A_136 : i32
            scf.if %cond3A_137 {
              %mul3A_139 = arith.constant 6272 : i32
              %mul3A_140 = arith.muli %arg1, %mul3A_139 : i32
              %mul3A_141 = arith.constant 392 : i32
              %mul3A_142 = arith.muli %scan3A_125, %mul3A_141 : i32
              %add3A_143 = arith.addi %mul3A_140, %mul3A_142 : i32
              %add3A_144 = arith.addi %add3A_143, %scan3A_101 : i32
              %scan3A_145 = arith.constant 0 : i32
              %scan3A_146 = arith.constant 0 : i32
              %scan3A_147 = arith.constant 16 : i32
              %scan3A_148 = arith.addi %scan3A_146, %scan3A_147 : i32
              %scan3A_149 = arith.constant 1 : i32
              %scan3A_150 = scf.for %scan3A_169 = %scan3A_146 to %scan3A_148 step %scan3A_149 iter_args(%scan3A_170 = %scan3A_145) -> (i32)  : i32 {
                %mul3A_171 = arith.constant 6272 : i32
                %mul3A_172 = arith.muli %scan3A_169, %mul3A_171 : i32
                "tpu.region"() ({
                  %run_scoped3A = tpu.sem_alloc : memref<!tpu.dma_semaphore, #tpu.memory_space<semaphore_mem>>
                  %dma_start3A_179 = tpu.memref_slice %arg5[%mul3A_172] : memref<100352xi32, #tpu.memory_space<vmem_shared>> -> memref<6272xi32, #tpu.memory_space<vmem_shared>>
                  %dma_start3A_180 = tpu.memref_slice %arg5[%mul3A_172] : memref<100352xi32, #tpu.memory_space<vmem_shared>> -> memref<6272xi32, #tpu.memory_space<vmem_shared>>
                  tpu.enqueue_dma source(%dma_start3A_180 : memref<6272xi32, #tpu.memory_space<vmem_shared>>) target(%arg17 : memref<6272xi32, #tpu.memory_space<vmem>>) target_semaphore(%run_scoped3A : memref<!tpu.dma_semaphore, #tpu.memory_space<semaphore_mem>>)
                  %dma_wait3A_181 = tpu.memref_slice %arg5[%mul3A_172] : memref<100352xi32, #tpu.memory_space<vmem_shared>> -> memref<6272xi32, #tpu.memory_space<vmem_shared>>
                  %dma_wait3A_182 = tpu.memref_slice %arg5[%mul3A_172] : memref<100352xi32, #tpu.memory_space<vmem_shared>> -> memref<6272xi32, #tpu.memory_space<vmem_shared>>
                  tpu.wait_dma2 semaphore(%run_scoped3A : memref<!tpu.dma_semaphore, #tpu.memory_space<semaphore_mem>>) src(%dma_wait3A_182 : memref<6272xi32, #tpu.memory_space<vmem_shared>>) dst(%arg17 : memref<6272xi32, #tpu.memory_space<vmem>>)
                  tpu.yield
                }) : () -> ()
                %scan3A_173 = arith.constant 0 : i32
                %scan3A_174 = arith.constant 392 : i32
                %scan3A_175 = arith.addi %scan3A_173, %scan3A_174 : i32
                %scan3A_176 = arith.constant 1 : i32
                %scan3A_177 = scf.for %scan3A_179 = %scan3A_173 to %scan3A_175 step %scan3A_176 iter_args(%scan3A_180 = %scan3A_170) -> (i32)  : i32 {
                  %mul3A_181 = arith.constant 16 : i32
                  %mul3A_182 = arith.muli %scan3A_179, %mul3A_181 : i32
                  %get3A = arith.index_cast %mul3A_182 : i32 to index
                  %get3A_183 = tpu.vector_load %arg17[%get3A] {strides = array<i32>} : memref<6272xi32, #tpu.memory_space<vmem>>, vector<16xi32>,
                  %mul3A_184 = arith.constant 6272 : i32
                  %mul3A_185 = arith.muli %scan3A_169, %mul3A_184 : i32
                  %mul3A_186 = arith.constant 16 : i32
                  %mul3A_187 = arith.muli %scan3A_179, %mul3A_186 : i32
                  %add3A_188 = arith.addi %mul3A_185, %mul3A_187 : i32
                  %add3A_189 = vector.broadcast %add3A_188 : i32 to vector<16xi32>
                  %add3A_190 = arith.addi %add3A_189, %iota3A : vector<16xi32>
                  %gt3A_191 = vector.broadcast %reduce_sum3A_132 : i32 to vector<16xi32>
                  %gt3A_192 = arith.cmpi sgt, %get3A_183, %gt3A_191 : vector<16xi32>
                  %eq3A_193 = vector.broadcast %reduce_sum3A_132 : i32 to vector<16xi32>
                  %eq3A_194 = arith.cmpi eq, %get3A_183, %eq3A_193 : vector<16xi32>
                  %lt3A = vector.broadcast %add3A_144 : i32 to vector<16xi32>
                  %lt3A_195 = arith.cmpi slt, %add3A_190, %lt3A : vector<16xi32>
                  %and3A = arith.andi %eq3A_194, %lt3A_195 : vector<16xi1>
                  %convert_element_type3A_196 = arith.extui %gt3A_192 : vector<16xi1> to vector<16xi32>
                  %reduce_sum3A_197 = arith.constant true
                  %reduce_sum3A_198 = vector.broadcast %reduce_sum3A_197 : i1 to vector<16xi1>
                  %reduce_sum3A_199 = tpu.scan <sum>, %convert_element_type3A_196 masked %reduce_sum3A_198 : vector<16xi32>, vector<16xi1> -> vector<16xi32>
                  %reduce_sum3A_200 = vector.extract %reduce_sum3A_199[15] : i32 from vector<16xi32>
                  %add3A_201 = arith.addi %scan3A_180, %reduce_sum3A_200 : i32
                  %convert_element_type3A_202 = arith.extui %and3A : vector<16xi1> to vector<16xi32>
                  %reduce_sum3A_203 = arith.constant true
                  %reduce_sum3A_204 = vector.broadcast %reduce_sum3A_203 : i1 to vector<16xi1>
                  %reduce_sum3A_205 = tpu.scan <sum>, %convert_element_type3A_202 masked %reduce_sum3A_204 : vector<16xi32>, vector<16xi1> -> vector<16xi32>
                  %reduce_sum3A_206 = vector.extract %reduce_sum3A_205[15] : i32 from vector<16xi32>
                  %add3A_207 = arith.addi %add3A_201, %reduce_sum3A_206 : i32
                  scf.yield %add3A_207 : i32
                }
                %scan3A_178 = arith.constant 392 : i32
                scf.yield %scan3A_177 : i32
              }
              %scan3A_151 = arith.constant 16 : i32
              %add3A_152 = arith.constant 1 : i32
              %add3A_153 = arith.addi %add3A_152, %scan3A_150 : i32
              %convert_element_type3A_154 = arith.sitofp %add3A_153 : i32 to f32
              %mul3A_155 = arith.constant 392 : i32
              %mul3A_156 = arith.muli %scan3A_125, %mul3A_155 : i32
              %add3A_157 = arith.addi %mul3A_156, %scan3A_101 : i32
              %mul3A_158 = arith.constant 0 : i32
              %mul3A_159 = vector.broadcast %mul3A_158 : i32 to vector<16xi32>
              %mul3A_160 = arith.muli %iota3A, %mul3A_159 : vector<16xi32>
              %add3A_161 = vector.broadcast %add3A_157 : i32 to vector<16xi32>
              %add3A_162 = arith.addi %mul3A_160, %add3A_161 : vector<16xi32>
              %broadcast_in_dim3A_163 = arith.constant 1.000000e+00 : f32
              %broadcast_in_dim3A_164 = vector.broadcast %broadcast_in_dim3A_163 : f32 to vector<16xf32>
              %div3A = vector.broadcast %convert_element_type3A_154 : f32 to vector<16xf32>
              %div3A_165 = arith.divf %broadcast_in_dim3A_164, %div3A : vector<16xf32>
              %eq3A_166 = arith.constant 0 : i32
              %eq3A_167 = vector.broadcast %eq3A_166 : i32 to vector<16xi32>
              %eq3A_168 = arith.cmpi eq, %iota3A, %eq3A_167 : vector<16xi32>
              tpu.vector_store_idx %arg16[%add3A_162], %div3A_165 masked %eq3A_168 : memref<6272xf32, #tpu.memory_space<vmem>>[vector<16xi32>], vector<16xf32>, vector<16xi1>
            } else {
            }
            %scan3A_138 = arith.constant 0 : i32
            scf.yield %scan3A_138 : i32
          }
          %scan3A_124 = arith.constant 16 : i32
        } else {
        }
        %scan3A_117 = arith.constant 0 : i32
        scf.yield %scan3A_117 : i32
      }
      %scan3A_100 = arith.constant 392 : i32
    } else {
    }
    %mul3A_63 = arith.constant 6272 : i32
    %mul3A_64 = arith.muli %arg1, %mul3A_63 : i32
    "tpu.region"() ({
      %run_scoped3A = tpu.sem_alloc : memref<!tpu.dma_semaphore, #tpu.memory_space<semaphore_mem>>
      %dma_start3A_94 = tpu.memref_slice %arg15[%mul3A_64] : memref<100352xf32, #tpu.memory_space<vmem_shared>> -> memref<6272xf32, #tpu.memory_space<vmem_shared>>
      %dma_start3A_95 = tpu.memref_slice %arg15[%mul3A_64] : memref<100352xf32, #tpu.memory_space<vmem_shared>> -> memref<6272xf32, #tpu.memory_space<vmem_shared>>
      tpu.enqueue_dma source(%arg16 : memref<6272xf32, #tpu.memory_space<vmem>>) target(%dma_start3A_95 : memref<6272xf32, #tpu.memory_space<vmem_shared>>) target_semaphore(%run_scoped3A : memref<!tpu.dma_semaphore, #tpu.memory_space<semaphore_mem>>)
      %dma_wait3A_96 = tpu.memref_slice %arg15[%mul3A_64] : memref<100352xf32, #tpu.memory_space<vmem_shared>> -> memref<6272xf32, #tpu.memory_space<vmem_shared>>
      %dma_wait3A_97 = tpu.memref_slice %arg15[%mul3A_64] : memref<100352xf32, #tpu.memory_space<vmem_shared>> -> memref<6272xf32, #tpu.memory_space<vmem_shared>>
      tpu.wait_dma2 semaphore(%run_scoped3A : memref<!tpu.dma_semaphore, #tpu.memory_space<semaphore_mem>>) src(%arg16 : memref<6272xf32, #tpu.memory_space<vmem>>) dst(%dma_wait3A_97 : memref<6272xf32, #tpu.memory_space<vmem_shared>>)
      tpu.yield
    }) : () -> ()
    %barrier3A_65 = arith.constant 0 : index
    tpu.barrier barrier_id(%barrier3A_65)
    %dma_wait3A_66 = tpu.memref_slice %arg3[%mul3A_12] : memref<102400xi32, #tpu.memory_space<hbm>> -> memref<6400xi32, #tpu.memory_space<hbm>>
    %dma_wait3A_67 = tpu.memref_slice %arg3[%mul3A_12] : memref<102400xi32, #tpu.memory_space<hbm>> -> memref<6400xi32, #tpu.memory_space<hbm>>
    tpu.wait_dma2 semaphore(%arg8 : memref<!tpu.dma_semaphore, #tpu.memory_space<semaphore_mem>>) src(%dma_wait3A_67 : memref<6400xi32, #tpu.memory_space<hbm>>) dst(%arg13 : memref<6400xi32, #tpu.memory_space<vmem>>)
    %dma_start3A_68 = arith.constant 0 : i32
    %dma_start3A_69 = tpu.memref_slice %arg14[%dma_start3A_68] : memref<6400xf32, #tpu.memory_space<vmem>> -> memref<3200xf32, #tpu.memory_space<vmem>>
    %dma_start3A_70 = arith.constant 0 : i32
    %dma_start3A_71 = tpu.memref_slice %arg13[%dma_start3A_70] : memref<6400xi32, #tpu.memory_space<vmem>> -> memref<3200xi32, #tpu.memory_space<vmem>>
    %dma_start3A_72 = arith.constant 0 : i32
    %dma_start3A_73 = tpu.memref_slice %arg15[%dma_start3A_72] : memref<100352xf32, #tpu.memory_space<vmem_shared>> -> memref<100352xf32, #tpu.memory_space<vmem_shared>>
    tpu.enqueue_indirect_dma source(%dma_start3A_73 : memref<100352xf32, #tpu.memory_space<vmem_shared>>) target(%dma_start3A_69 : memref<3200xf32, #tpu.memory_space<vmem>>) offsets(%dma_start3A_71 : memref<3200xi32, #tpu.memory_space<vmem>>) semaphore(%arg8 : memref<!tpu.dma_semaphore, #tpu.memory_space<semaphore_mem>>)
    %dma_start3A_74 = arith.constant 3200 : i32
    %dma_start3A_75 = tpu.memref_slice %arg14[%dma_start3A_74] : memref<6400xf32, #tpu.memory_space<vmem>> -> memref<3200xf32, #tpu.memory_space<vmem>>
    %dma_start3A_76 = arith.constant 3200 : i32
    %dma_start3A_77 = tpu.memref_slice %arg13[%dma_start3A_76] : memref<6400xi32, #tpu.memory_space<vmem>> -> memref<3200xi32, #tpu.memory_space<vmem>>
    %dma_start3A_78 = arith.constant 0 : i32
    %dma_start3A_79 = tpu.memref_slice %arg15[%dma_start3A_78] : memref<100352xf32, #tpu.memory_space<vmem_shared>> -> memref<100352xf32, #tpu.memory_space<vmem_shared>>
    tpu.enqueue_indirect_dma source(%dma_start3A_79 : memref<100352xf32, #tpu.memory_space<vmem_shared>>) target(%dma_start3A_75 : memref<3200xf32, #tpu.memory_space<vmem>>) offsets(%dma_start3A_77 : memref<3200xi32, #tpu.memory_space<vmem>>) semaphore(%arg20 : memref<!tpu.dma_semaphore, #tpu.memory_space<semaphore_mem>>)
    %dma_wait3A_80 = arith.constant 0 : i32
    %dma_wait3A_81 = tpu.memref_slice %arg14[%dma_wait3A_80] : memref<6400xf32, #tpu.memory_space<vmem>> -> memref<3200xf32, #tpu.memory_space<vmem>>
    %dma_wait3A_82 = arith.constant 0 : i32
    %dma_wait3A_83 = tpu.memref_slice %arg13[%dma_wait3A_82] : memref<6400xi32, #tpu.memory_space<vmem>> -> memref<3200xi32, #tpu.memory_space<vmem>>
    %dma_wait3A_84 = arith.constant 0 : i32
    %dma_wait3A_85 = tpu.memref_slice %arg15[%dma_wait3A_84] : memref<100352xf32, #tpu.memory_space<vmem_shared>> -> memref<100352xf32, #tpu.memory_space<vmem_shared>>
    tpu.wait_indirect_dma semaphore(%arg8 : memref<!tpu.dma_semaphore, #tpu.memory_space<semaphore_mem>>) src(%dma_wait3A_85 : memref<100352xf32, #tpu.memory_space<vmem_shared>>) dst(%dma_wait3A_81 : memref<3200xf32, #tpu.memory_space<vmem>>)
    %dma_wait3A_86 = arith.constant 3200 : i32
    %dma_wait3A_87 = tpu.memref_slice %arg14[%dma_wait3A_86] : memref<6400xf32, #tpu.memory_space<vmem>> -> memref<3200xf32, #tpu.memory_space<vmem>>
    %dma_wait3A_88 = arith.constant 3200 : i32
    %dma_wait3A_89 = tpu.memref_slice %arg13[%dma_wait3A_88] : memref<6400xi32, #tpu.memory_space<vmem>> -> memref<3200xi32, #tpu.memory_space<vmem>>
    %dma_wait3A_90 = arith.constant 0 : i32
    %dma_wait3A_91 = tpu.memref_slice %arg15[%dma_wait3A_90] : memref<100352xf32, #tpu.memory_space<vmem_shared>> -> memref<100352xf32, #tpu.memory_space<vmem_shared>>
    tpu.wait_indirect_dma semaphore(%arg20 : memref<!tpu.dma_semaphore, #tpu.memory_space<semaphore_mem>>) src(%dma_wait3A_91 : memref<100352xf32, #tpu.memory_space<vmem_shared>>) dst(%dma_wait3A_87 : memref<3200xf32, #tpu.memory_space<vmem>>)
    %mul3A_92 = arith.constant 6400 : i32
    %mul3A_93 = arith.muli %arg1, %mul3A_92 : i32
    "tpu.region"() ({
      %run_scoped3A = tpu.sem_alloc : memref<!tpu.dma_semaphore, #tpu.memory_space<semaphore_mem>>
      %dma_start3A_94 = tpu.memref_slice %arg4[%mul3A_93] : memref<102400xf32, #tpu.memory_space<hbm>> -> memref<6400xf32, #tpu.memory_space<hbm>>
      %dma_start3A_95 = tpu.memref_slice %arg4[%mul3A_93] : memref<102400xf32, #tpu.memory_space<hbm>> -> memref<6400xf32, #tpu.memory_space<hbm>>
      tpu.enqueue_dma source(%arg14 : memref<6400xf32, #tpu.memory_space<vmem>>) target(%dma_start3A_95 : memref<6400xf32, #tpu.memory_space<hbm>>) target_semaphore(%run_scoped3A : memref<!tpu.dma_semaphore, #tpu.memory_space<semaphore_mem>>)
      %dma_wait3A_96 = tpu.memref_slice %arg4[%mul3A_93] : memref<102400xf32, #tpu.memory_space<hbm>> -> memref<6400xf32, #tpu.memory_space<hbm>>
      %dma_wait3A_97 = tpu.memref_slice %arg4[%mul3A_93] : memref<102400xf32, #tpu.memory_space<hbm>> -> memref<6400xf32, #tpu.memory_space<hbm>>
      tpu.wait_dma2 semaphore(%run_scoped3A : memref<!tpu.dma_semaphore, #tpu.memory_space<semaphore_mem>>) src(%arg14 : memref<6400xf32, #tpu.memory_space<vmem>>) dst(%dma_wait3A_97 : memref<6400xf32, #tpu.memory_space<hbm>>)
      tpu.yield
    }) : () -> ()
    return
  }
}

</mosaic_0001>

<sc_bundles>
// kernel: kernel.3.cloned.1.call-start
scs
__scs_entry_jumppad:
0x0: {  	(pc) =	sbr.rel $0x88, $3  }
0x1: {  	(tag) =	ssettag $0x0;
	lr =	simm.s32 $0x1  }
0x2: {  	[smem:$0x3F9F] =	sst lr;
	_ =	strace $0xD0000000  }
0x3: {  	_ = 	snop  }
0x4: {  	_ = 	snop  }
0x5: {  	_ = 	snop  }
0x6: {  	_ = 	snop  }
0x7: {  	_ = 	snop  }
__scs_overlays_trampoline_lowered:
0x8: {  	[smem:$0x3FAE] =	sst s0  }
0x9: {  	[smem:$0x3FAF] =	sst s1  }
0xa: {  	[smem:$0x3FB0] =	sst s2  }
0xb: {  	[smem:$0x3FB1] =	sst s3  }
0xc: {  	[smem:$0x3FB2] =	sst s4  }
0xd: {  	[smem:$0x3FB3] =	sst s5  }
0xe: {  	[smem:$0x3FB4] =	sst s6  }
0xf: {  	[smem:$0x3FB5] =	sst s7  }
0x10: {  	[smem:$0x3FB6] =	sst s8  }
0x11: {  	[smem:$0x3FB7] =	sst s9;
	s0 =	simm.s32 @!p0 $0x0  }
0x12: {  	s1 =	sld [smem:$0x3F9D];
	s0 =	simm.s32 @p0 $0x1  }
0x13: {  	[smem:$0x3FB8] =	sst s0;
	s0 =	simm.s32 @!p1 $0x0  }
0x14: {  	s2 =	sld [smem:$0x3F9C];
	s0 =	simm.s32 @p1 $0x1  }
0x15: {  	[smem:$0x3FB9] =	sst s0;
	s0 =	simm.s32 @!p2 $0x0  }
0x16: {  	s3 =	sld [smem:$0x3FDB];
	s0 =	simm.s32 @p2 $0x1  }
0x17: {  	s4 =	simm.s32 $0x1BF5;
	[smem:$0x3FBB] =	sst s0  }
0x18: {  	s0 =	sld [smem:$0x3F9E];
	_ =	swait.ge [sflag:s4], $0x0  }
0x19: {  	s7 =	sld [smem:$0x3F9F]  }
0x1a: {  	s8 =	sadd.s32 $0xFFFFE003, lr  }
0x1b: {  	s9 =	sadd.s32 $0xFFFFFEF7, lr;
	s5 =	simm.s32 $0xFFFFFFFF;
	p2 =	slt.u32 s8, $0xFFFFF086  }
0x1c: {  	p1 =	slt.u32 s9, $0xF7A;
	s5 =	simm.s32 @!p2 $0x0  }
0x1d: {  	s5 =	simm.s32 @p1 $0x1;
	p0 =	seq.s32 s7, s2  }
0x1e: {  	s7 =	smul.u32 @!p0 $0xF7A, s2;
	p2 =	seq.s32 @!p0 s5, $0x0  }
0x1f: {  	s9 =	smul.u32 $0xF7A, s1;
	s8 =	simm.s32 @!p0 $0x1BF5;
	p2 =	por !p2, p0  }
0x20: {  	[sflag:s8] =	ssyncset.s32 @!p0 $0xFFFFF086;
	s6 =	sadd.s32 @!p0 s3, s7;
	s7 =	simm.s32 @!p0 $0x108  }
0x21: {  	s3 =	sadd.s32 s3, s9;
	s6 =	sadd.s32 @!p0 $0x88, s6;
	s7 =	simm.s32 @p2 $0x1082  }
0x22: {  	[simem:s7], [sflag:s8] =	dma.local @!p0 [hbm:s6], $0xF7A  }
0x23: {  	s9 =	sor.u32 $0xD0000000, s2;
	s6 =	simm.s32 $0x108;
	_ =	swait.ge @!p0 [sflag:s8], $0x0  }
0x24: {  	s3 =	sadd.s32 $0x88, s3;
	s6 =	simm.s32 @!p1 $0x1082;
	[sflag:s4] =	ssyncset.s32 $0xFFFFF086  }
0x25: {  	[simem:s6], [sflag:s4] =	dma.local [hbm:s3], $0xF7A  }
0x26: {  	[smem:$0x3F9F] =	sst s1;
	(tag) =	ssettag s2;
	_ =	strace s9  }
0x27: {  	s1 =	sld [smem:$0x3FAF]  }
0x28: {  	s2 =	sld [smem:$0x3FB0]  }
0x29: {  	s4 =	sld [smem:$0x3FB2]  }
0x2a: {  	p0 =	seq.s32 s5, $0x0;
	s5 =	sld [smem:$0x3FB3]  }
0x2b: {  	s6 =	sld [smem:$0x3FB4]  }
0x2c: {  	s7 =	sld [smem:$0x3FB5]  }
0x2d: {  	s3 =	simm.s32 $0x108;
	s8 =	sld [smem:$0x3FB6]  }
0x2e: {  	s3 =	simm.s32 @!p0 $0x1082;
	s9 =	sld [smem:$0x3FB7]  }
0x2f: {  	lr =	sadd.s32 s0, s3;
	s0 =	sld [smem:$0x3FAE]  }
0x30: {  	s3 =	sld [smem:$0x3FB1]  }
0x31: {  	[smem:$0x3FBA] =	sst s10  }
0x32: {  	s10 =	sld [smem:$0x3FB8];
	_ =	sdelay $0x3  }
0x33: {  	p0 =	seq.s32 s10, $0x1;
	s10 =	sld [smem:$0x3FBA];
	_ =	sdelay $0x3  }
0x34: {  	[smem:$0x3FBA] =	sst s10  }
0x35: {  	s10 =	sld [smem:$0x3FB9];
	_ =	sdelay $0x3  }
0x36: {  	p1 =	seq.s32 s10, $0x1;
	s10 =	sld [smem:$0x3FBA];
	_ =	sdelay $0x3  }
0x37: {  	[smem:$0x3FBA] =	sst s10  }
0x38: {  	s10 =	sld [smem:$0x3FBB]  }
0x39: {  	_ = 	snop;
	(pc) =	sbr.ind lr, $3  }
0x3a: {  	_ = 	snop  }
0x3b: {  	_ = 	snop  }
0x3c: {  	p2 =	seq.s32 s10, $0x1;
	s10 =	sld [smem:$0x3FBA]  }
0x3d: {  	_ =	shalt  }
0x3e: {  	_ =	shalt  }
0x3f: {  	_ =	shalt  }
0x40: {  	_ =	shalt  }
0x41: {  	_ =	shalt  }
0x42: {  	_ =	shalt  }
0x43: {  	_ =	shalt  }
0x44: {  	_ =	shalt  }
0x45: {  	_ =	shalt  }
0x46: {  	_ =	shalt  }
0x47: {  	_ =	shalt  }
0x48: {  	_ =	shalt  }
0x49: {  	_ =	shalt  }
0x4a: {  	_ =	shalt  }
0x4b: {  	_ =	shalt  }
0x4c: {  	_ =	shalt  }
0x4d: {  	_ =	shalt  }
0x4e: {  	_ =	shalt  }
0x4f: {  	_ =	shalt  }
0x50: {  	_ =	shalt  }
0x51: {  	_ =	shalt  }
0x52: {  	_ =	shalt  }
0x53: {  	_ =	shalt  }
0x54: {  	_ =	shalt  }
0x55: {  	_ =	shalt  }
0x56: {  	_ =	shalt  }
0x57: {  	_ =	shalt  }
0x58: {  	_ =	shalt  }
0x59: {  	_ =	shalt  }
0x5a: {  	_ =	shalt  }
0x5b: {  	_ =	shalt  }
0x5c: {  	_ =	shalt  }
0x5d: {  	_ =	shalt  }
0x5e: {  	_ =	shalt  }
0x5f: {  	_ =	shalt  }
0x60: {  	_ =	shalt  }
0x61: {  	_ =	shalt  }
0x62: {  	_ =	shalt  }
0x63: {  	_ =	shalt  }
0x64: {  	_ =	shalt  }
0x65: {  	_ =	shalt  }
0x66: {  	_ =	shalt  }
0x67: {  	_ =	shalt  }
0x68: {  	_ =	shalt  }
0x69: {  	_ =	shalt  }
0x6a: {  	_ =	shalt  }
0x6b: {  	_ =	shalt  }
0x6c: {  	_ =	shalt  }
0x6d: {  	_ =	shalt  }
0x6e: {  	_ =	shalt  }
0x6f: {  	_ =	shalt  }
0x70: {  	_ =	shalt  }
0x71: {  	_ =	shalt  }
0x72: {  	_ =	shalt  }
0x73: {  	_ =	shalt  }
0x74: {  	_ =	shalt  }
0x75: {  	_ =	shalt  }
0x76: {  	_ =	shalt  }
0x77: {  	_ =	shalt  }
0x78: {  	_ =	shalt  }
0x79: {  	_ =	shalt  }
0x7a: {  	_ =	shalt  }
0x7b: {  	_ =	shalt  }
0x7c: {  	_ =	shalt  }
0x7d: {  	_ =	shalt  }
0x7e: {  	_ =	shalt  }
0x7f: {  	_ =	shalt  }
0x80: {  	_ =	shalt  }
0x81: {  	_ =	shalt  }
0x82: {  	_ =	shalt  }
0x83: {  	_ =	shalt  }
0x84: {  	_ =	shalt  }
0x85: {  	_ =	shalt  }
0x86: {  	_ =	shalt  }
0x87: {  	_ =	shalt  }
.Lfunc_end0:
.L_simem_size_0:
called_computation_lowered:
.L_overlay_start_0:
0x88: {  	s0 =	sld [smem:$0x3FD9]  }
0x89: {  	s1 =	sld [smem:$0x3FFE];
	_ =	sdelay $0x3  }
0x8a: {  	s0 =	sadd.s32 s1, s0  }
0x8b: {  	[smem:$0x3FC6] =	sst s0  }
0x8c: {  	_ = 	snop  }
0x8d: {  	s0 =	sld [smem:$0x3FD0];
	(tm) =	ssettm $0x1  }
0x8e: {  	s16 =	sld [smem:$0x3FFB];
	_ =	sdelay $0x3  }
0x8f: {  	_ =	strace s16  }
0x90: {  	s1 =	sld [smem:$0x3FFC];
	_ =	sdelay $0x3  }
0x91: {  	_ =	strace s1  }
0x92: {  	s1 =	sld [smem:$0x3FFD];
	_ =	sdelay $0x3  }
0x93: {  	_ =	strace s1  }
0x94: {  	_ =	strace $0x8FFFFFFF  }
0x95: {  	s17 =	sld [smem:$0x3FDB];
	_ =	sdelay $0x1  }
0x96: {  	s2 =	simm.s32 $_scs_section_size  }
0x97: {  	s3 =	simm.s32 $_size__tile_overlayer_lowered;
	s4 =	simm.s32 $_tile_overlayer_lowered  }
0x98: {  	s20 =	simm.s32 $0x1BFF;
	s19 =	sshll.u32 s4, $0x1;
	s1 =	sadd.s32 s2, s17  }
0x99: {  	s5 =	simm.s32 $0x0;
	s18 =	sshll.u32 s3, $0x1;
	s3 =	sadd.s32 s19, s1  }
0x9a: {  	[timem:s5], [sflag:s20] =	dma.local [hbm:s3], s18  }
0x9b: {  	_ =	swait.ge [sflag:s20], s18  }
0x9c: {  	s2 =	ssub.s32 $0x0, s18;
	[sflag:s20] =	ssyncset.done $0x0  }
0x9d: {  	[sflag:s20] =	ssyncadd.s32 s2;
	_ =	sdelay $0x1  }
0x9e: {  	s21 =	simm.s32 $0x1B8B  }
0x9f: {  	_ =	swait.ge [sflag:s21], $0x1  }
0xa0: {  	[sflag:s21] =	ssyncset.done $0x0  }
0xa1: {  	s23 =	simm.s32 $0x1B8E;
	s22 =	sld [smem:$0x3FFE];
	[sflag:s21] =	ssyncadd.s32 $0xFFFFFFFF  }
0xa2: {  	s24 =	simm.s32 $execute0_lowered;
	[smem:$0x3FD2] =	sst s23  }
0xa3: {  	s3 =	sshll.u32 s24, $0x1;
	_ =	strace $0x80000046;
	[dreg:$0x1] =	wrdreg $0xFFFFFFFF  }
0xa4: {  	s25 =	simm.s32 $_size_execute0_lowered;
	s1 =	sadd.s32 s1, s3;
	[dreg:$0x0] =	wrdreg $0x0  }
0xa5: {  	s3 =	sshll.u32 s25, $0x1;
	[dreg:$0x2] =	wrdreg s1  }
0xa6: {  	[dreg:$0x3] =	wrdreg s3  }
0xa7: {  	[dreg:$0x4] =	wrdreg $0xC0  }
0xa8: {  	_ =	task [dreg:s5], $0x5FFFF  }
0xa9: {  	[dreg:$0x1] =	wrdreg $0xFFFFFFFF  }
0xaa: {  	[dreg:$0x0] =	wrdreg $0x60  }
0xab: {  	[dreg:$0x2] =	wrdreg s22  }
0xac: {  	[dreg:$0x3] =	wrdreg s0  }
0xad: {  	[dreg:$0x4] =	wrdreg $0x0  }
0xae: {  	[dreg:$0x5] =	wrdreg $0x1E0800  }
0xaf: {  	[dreg:$0x6] =	wrdreg $0x121000  }
0xb0: {  	[dreg:$0x7] =	wrdreg $0x9  }
0xb1: {  	_ =	task.clear_ibuf [dreg:s5], $0x8FFFF;
	_ =	strace $0x90000046  }
0xb2: {  	s26 =	simm.s32 $0x9;
	_ =	strace $0x80000048  }
0xb3: {  	_ =	swait.ge [sflag:s26], $0x1  }
0xb4: {  	[sflag:s26] =	ssyncadd.s32 $0xFFFFFFFF  }
0xb5: {  	_ =	strace $0x90000048  }
0xb6: {  	_ =	sfence  }
0xb7: {  	s28 =	sld [smem:$0x0];
	_ =	sdelay $0x1  }
0xb8: {  	s29 =	srdreg.scid  }
0xb9: {  	s30 =	sshll.u32 s29, $0xD;
	s31 =	sshrl.u32 s29, $0x2  }
0xba: {  	s2 =	sand.u32 $0x4000, s30;
	s1 =	sand.u32 $0x1, s29;
	s0 =	sadd.s32 s31, s28  }
0xbb: {  	s1 =	sor.u32 s2, s1;
	s0 =	sshll.u32 s0, $0x11  }
0xbc: {  	s0 =	sor.u32 s0, s1  }
0xbd: {  	s0 =	sadd.s32 $0x8F2B, s0  }
0xbe: {  	[sflag:s0] =	ssyncadd.remote.s32 $0x1  }
0xbf: {  	_ =	sfence.sel $0xFFFF  }
0xc0: {  	[dreg:$0x0] =	wrdreg $0xFFFFFFFF;
	(pc) =	sbr.abs _section_cstart, $3  }
0xc1: {  	[dreg:$0x1] =	wrdreg $0xFFFFFFFF  }
0xc2: {  	_ =	task.clear_ibuf [dreg:s5], $0x2FFFF;
	_ =	strace $0x9FFFFFFF  }
0xc3: {  	(tm) =	ssettm $0x7FFFFFFF  }
tec
execute0_lowered:
.L_overlay_start_1:
0x0: {  	(tag) =	ssettag $0x1  }
0x1: {  	s6 =	rddreg [dreg:$0x0]  }
0x2: {  	s4 =	rddreg [dreg:$0x1]  }
0x3: {  	s3 =	rddreg [dreg:$0x2]  }
0x4: {  	s7 =	rddreg [dreg:$0x3];
	s1 =	stileid.u32  }
0x5: {  	s2 =	rddreg [dreg:$0x4];
	s5 =	smul.u32 $0x640, s1  }
0x6: {  	s0 =	rddreg [dreg:$0x5];
	s8 =	simm.s32 $0x0  }
0x7: {  	s10 =	simm.s32 $0x16E80;
	[smem:$0x7FF] =	sst s8;
	s5 =	sadd.s32 s5, s6  }
0x8: {  	_ =	strace $0x80000047;
	s9 =	sadd.s32 $0x600, s5;
	s5 =	smul.u32 $0x320, s1  }
0x9: {  	[tilespmem:s10], [sflag:$0x2] =	stream.linear.gather [hbm4b:s9+s8], $0x3200, $0x38;
	[tilespmem:$0x1E480] =	vst v63  }
0xa: {  	s31 =	simm.s32 $0xEF00;
	s4 =	sadd.s32 s4, s5  }
0xb: {  	[tilespmem:s31], [sflag:$0x1] =	stream.linear.gather [hbm4b:s4+s8], $0x1900, $0x38;
	[tilespmem:$0x1E480] =	vst v63  }
0xc: {  	v0 =	vimm.s32 $0x0;
	s4 =	simm.s32 $0x3540  }
0xd: {  	[tilespmem:s4+$0xFFFFFFC0] =	vst v0  }
0xe: {  	[tilespmem:s4+$0x30] =	vst v0  }
0xf: {  	[tilespmem:s4+$0x20] =	vst v0  }
0x10: {  	[tilespmem:s4+$0x10] =	vst v0  }
0x11: {  	[tilespmem:s4+$0x0] =	vst v0  }
0x12: {  	[tilespmem:s4+$0xFFFFFFF0] =	vst v0  }
0x13: {  	s6 =	sadd.s32 $0x6A00, s6;
	s8 =	simm.s32 $0x0;
	[tilespmem:s4+$0xFFFFFFE0] =	vst v0  }
.LBB2_1:
0x14: {  	s8 =	sadd.s32 $0x8, s8;
	[tilespmem:s4+$0xFFFFFFD0] =	vst v0;
	s4 =	sadd.s32 $0x80, s4  }
0x15: {  	[tilespmem:s4+$0xFFFFFFC0] =	vst v0;
	p0 =	slt.u32 s8, $0x7F8  }
0x16: {  	[tilespmem:s4+$0x30] =	vst v0  }
.Ltmp0:
0x17: {  	[tilespmem:s4+$0x20] =	vst v0;
	(pc) =	sbr.rel @p0 .LBB2_1-.Ltmp0, $4  }
0x18: {  	[tilespmem:s4+$0x10] =	vst v0  }
0x19: {  	[tilespmem:s4+$0x0] =	vst v0  }
0x1a: {  	[tilespmem:s4+$0xFFFFFFF0] =	vst v0  }
0x1b: {  	[tilespmem:s4+$0xFFFFFFE0] =	vst v0  }
0x1c: {  	[tilespmem:s4+$0xFFFFFFD0] =	vst v0;
	s8 =	simm.s32 $0xB940;
	v0 =	vimm.s32 $0x1  }
0x1d: {  	[tilespmem:s8+$0xFFFFFFC0] =	vst v0  }
0x1e: {  	[tilespmem:s8+$0x30] =	vst v0  }
0x1f: {  	[tilespmem:s8+$0x20] =	vst v0  }
0x20: {  	[tilespmem:s8+$0x10] =	vst v0  }
0x21: {  	[tilespmem:s8+$0x0] =	vst v0  }
0x22: {  	[tilespmem:s8+$0xFFFFFFF0] =	vst v0  }
0x23: {  	s4 =	simm.s32 $0x0;
	[tilespmem:s8+$0xFFFFFFE0] =	vst v0  }
.LBB2_3:
0x24: {  	s4 =	sadd.s32 $0x8, s4;
	[tilespmem:s8+$0xFFFFFFD0] =	vst v0;
	s8 =	sadd.s32 $0x80, s8  }
0x25: {  	[tilespmem:s8+$0xFFFFFFC0] =	vst v0;
	p0 =	slt.u32 s4, $0x318  }
0x26: {  	[tilespmem:s8+$0x30] =	vst v0  }
.Ltmp1:
0x27: {  	[tilespmem:s8+$0x20] =	vst v0;
	(pc) =	sbr.rel @p0 .LBB2_3-.Ltmp1, $4  }
0x28: {  	[tilespmem:s8+$0x10] =	vst v0  }
0x29: {  	[tilespmem:s8+$0x0] =	vst v0  }
0x2a: {  	[tilespmem:s8+$0xFFFFFFF0] =	vst v0  }
0x2b: {  	[tilespmem:s8+$0xFFFFFFE0] =	vst v0  }
0x2c: {  	s4 =	smul.u32 $0x1880, s1;
	_ =	sdelay $0x1  }
0x2d: {  	[tilespmem:s8+$0xFFFFFFD0] =	vst v0;
	s8 =	simm.s32 $0x3500;
	s11 =	simm.s32 $0x3;
	s10 =	sadd.s32 s4, s3  }
0x2e: {  	[spmem:s10] =	stream.linear.scatter [tilespmem:s8], [sflag:$0x3], $0x1880, $0x38;
	[tilespmem:$0x1E480] =	vst v63  }
0x2f: {  	_ =	swait.ge [sflag:s11], $0x1880  }
0x30: {  	[sflag:s11] =	ssyncset.done $0x0  }
0x31: {  	[sflag:s11] =	ssyncadd.s32 $0xFFFFE780  }
0x32: {  	s9 =	simm.s32 $0x2;
	[bflag:$0x0] =	sbarrier.arrive $0xFFFF  }
0x33: {  	_ =	swait.ge [sflag:s9], $0x3200  }
0x34: {  	s25 =	simm.s32 $0x3200;
	[sflag:s9] =	ssyncset.done $0x0  }
0x35: {  	s12 =	simm.s32 $0x16E80;
	s13 =	simm.s32 $0xB900;
	[sflag:s9] =	ssyncadd.s32 $0xFFFFCE00  }
0x36: {  	[spmem:s3] =	stream.indirect.scatter.add.s32 [tilespmem:s13], [sflag:$0x3], $0x1, s12, s25, $0xb8;
	[tilespmem:$0x1E480] =	vst v63  }
0x37: {  	_ =	swait.ge [sflag:s11], $0x3200  }
0x38: {  	v0 =	vlaneseq.u32;
	[sflag:s11] =	ssyncset.done $0x0  }
0x39: {  	v1 =	vmul.u32 $0xC4, v0;
	[sflag:s11] =	ssyncadd.s32 $0xFFFFCE00  }
0x3a: {  	s9 =	simm.s32 $0x1880;
	[bflag:$0x0] =	sbarrier.arrive $0xFFFF  }
0x3b: {  	v2 =	vadd.s32 $0xC40, v1;
	[tilespmem:s9], [sflag:$0x3] =	stream.linear.gather [spmem:s10], $0x1880, $0x38;
	[tilespmem:$0x1E480] =	vst v63  }
0x3c: {  	_ =	swait.ge [sflag:s11], $0x1880  }
0x3d: {  	[sflag:s11] =	ssyncset.done $0x0  }
0x3e: {  	[sflag:s11] =	ssyncadd.s32 $0xFFFFE780  }
0x3f: {  	v9 =	vld.idx.msk [tilespmem:v1+s9+$0x0], $0xffff  }
0x40: {  	v2 =	vld.idx.msk [tilespmem:v2+s9+$0x0], $0xffff;
	_ =	sdelay $0x1  }
0x41: {  	s10 =	simm.s32 $0x1  }
0x42: {  	s26 =	smin.u32 s10, $0xC3  }
0x43: {  	v3 =	vmul.u32 $0x400, v0;
	s28 =	sadd.s32 $0xC40, s26;
	vm0 =	vlt.s32 v9, $0x3FF  }
0x44: {  	v0 =	vadd.s32 s28, v1;
	vm1 =	vlt.s32 v2, $0x3FF;
	v11 =	vnsel vm0, $0x3FF, v9  }
0x45: {  	v6 =	vor.u32 $0x4000, v3;
	v12 =	vnsel vm1, $0x3FF, v2;
	v16 =	vadd.s32 v3, v11  }
0x46: {  	v7 =	vadd.s32 v6, v12  }
0x47: {  	v4 =	vadd.s32 s26, v1;
	_ =	sdelay $0x1  }
0x48: {  	v5 =	vld.idx.msk [tilespmem:v0+s9+$0x0], $0xffff  }
0x49: {  	v0 =	vld.idx.msk [tilespmem:v16+s8+$0x0], $0xffff  }
0x4a: {  	s29 =	simm.s32 $0x0;
	v13 =	vld.idx.msk [tilespmem:v7+s8+$0x0], $0xffff  }
0x4b: {  	s30 =	simm.s32 $0xC40;
	v15 =	vadd.s32 s29, v1;
	v8 =	vld.idx.msk [tilespmem:v4+s9+$0x0], $0xffff;
	vm0 =	vgt.s32 v9, v2  }
0x4c: {  	v14 =	vimm.s32 $0x0;
	v18 =	vadd.s32 s30, v1;
	v17 =	vsel vm0, v9, v2  }
0x4d: {  	s12 =	simm.s32 $0x2;
	vm2 =	vlt.s32 v9, $0x400;
	vm0 =	vgt.s32 v14, v17;
	vm1 =	vlt.s32 v5, $0x3FF  }
0x4e: {  	s31 =	smin.u32 s12, $0xC3;
	v9 =	vnsel vm1, $0x3FF, v5;
	vm1 =	vlt.s32 v2, $0x400;
	v19 =	vshll.u32 v0, $0xA  }
0x4f: {  	s13 =	sadd.s32 $0xC40, s31;
	s11 =	simm.s32 $0x15200;
	v0 =	vsel vm0, v14, v17;
	v13 =	vshll.u32 v13, $0xA;
	v14 =	vadd.s32 v11, v19  }
0x50: {  	vm0 =	vlt.s32 v8, $0x3FF;
	v12 =	vadd.s32 v12, v13;
	[tilespmem:v15+s11+$0x0] =	vst.idx.msk $0xffff, v14;
	v14 =	vadd.s32 s13, v1  }
0x51: {  	v10 =	vadd.s32 s31, v1;
	v11 =	vnsel vm0, $0x3FF, v8;
	vm0 =	vgt.s32 v8, v5  }
0x52: {  	v4 =	vimm.s32 $0x1;
	v15 =	vadd.s32 v3, v11;
	v2 =	vsel vm0, v8, v5;
	[tilespmem:v18+s11+$0x0] =	vst.idx.msk $0xffff, v12  }
0x53: {  	v13 =	vadd.s32 v6, v9;
	vm0 =	vgt.s32 v0, v2;
	[tilespmem:v16+s8+$0x0] =	vst.idx.add.s32.msk vm2, v4;
	v12 =	vmov v15  }
.LBB2_5:
0x54: {  	p0 =	sne.s32 s12, $0xC3;
	[tilespmem:v7+s8+$0x0] =	vst.idx.add.s32.msk vm1, v4;
	v7 =	vmov v13;
	s13 =	smov.u32 s12;
	s12 =	sadd.s32 $0x1, s12  }
0x55: {  	s14 =	smin.u32 s12, $0xC3;
	v16 =	vld.idx.msk [tilespmem:v14+s9+$0x0], $0xffff  }
0x56: {  	v14 =	vadd.s32 s14, v1;
	s14 =	sadd.s32 $0xC40, s14  }
0x57: {  	v15 =	vld.idx.msk [tilespmem:v15+s8+$0x0], $0xffff  }
0x58: {  	v13 =	vld.idx.msk [tilespmem:v13+s8+$0x0], $0xffff  }
0x59: {  	v17 =	vld.idx.msk [tilespmem:v10+s9+$0x0], $0xffff;
	v10 =	vmov v14  }
0x5a: {  	v18 =	vadd.s32 s10, v1;
	s15 =	sadd.s32 $0xC40, s10;
	s10 =	smov.u32 s13;
	vm1 =	vlt.s32 v16, $0x3FF  }
0x5b: {  	vm2 =	vlt.s32 v8, $0x400;
	v20 =	vadd.s32 s15, v1;
	v19 =	vnsel vm1, $0x3FF, v16  }
0x5c: {  	vm1 =	vlt.s32 v5, $0x400;
	v5 =	vmov v16  }
.Ltmp2:
0x5d: {  	v0 =	vsel vm0, v0, v2;
	v14 =	vadd.s32 s14, v1;
	v15 =	vshll.u32 v15, $0xA;
	(pc) =	sbr.rel @p0 .LBB2_5-.Ltmp2, $4  }
0x5e: {  	v2 =	vadd.s32 v11, v15;
	v13 =	vshll.u32 v13, $0xA;
	vm0 =	vlt.s32 v17, $0x3FF;
	v8 =	vmovc v17  }
0x5f: {  	v13 =	vadd.s32 v9, v13;
	v11 =	vnsel vm0, $0x3FF, v17;
	vm0 =	vgt.s32 v17, v16;
	[tilespmem:v18+s11+$0x0] =	vst.idx.msk $0xffff, v2  }
0x60: {  	v9 =	vmov v19;
	v15 =	vadd.s32 v3, v11;
	v2 =	vsel vm0, v17, v16;
	[tilespmem:v20+s11+$0x0] =	vst.idx.msk $0xffff, v13  }
0x61: {  	v13 =	vadd.s32 v6, v9;
	vm0 =	vgt.s32 v0, v2;
	[tilespmem:v12+s8+$0x0] =	vst.idx.add.s32.msk vm2, v4;
	v12 =	vmov v15  }
0x62: {  	_ =	sdelay $0x4  }
0x63: {  	[tilespmem:v7+s8+$0x0] =	vst.idx.add.s32.msk vm1, v4  }
0x64: {  	v3 =	vld.idx.msk [tilespmem:v15+s8+$0x0], $0xffff  }
0x65: {  	v6 =	vld.idx.msk [tilespmem:v13+s8+$0x0], $0xffff  }
0x66: {  	v7 =	vadd.s32 s10, v1;
	s9 =	sadd.s32 $0xC40, s10  }
0x67: {  	vm15 =	vlt.s32 v8, $0x400;
	v1 =	vadd.s32 s9, v1  }
0x68: {  	vm2 =	vlt.s32 v5, $0x400  }
0x69: {  	v3 =	vshll.u32 v3, $0xA  }
0x6a: {  	v5 =	vshll.u32 v6, $0xA;
	v3 =	vadd.s32 v11, v3  }
0x6b: {  	[tilespmem:v7+s11+$0x0] =	vst.idx.msk $0xffff, v3;
	v3 =	vadd.s32 v9, v5  }
0x6c: {  	[tilespmem:v1+s11+$0x0] =	vst.idx.msk $0xffff, v3  }
0x6d: {  	[tilespmem:v12+s8+$0x0] =	vst.idx.add.s32.msk vm15, v4  }
0x6e: {  	s9 =	simm.s32 $0x0;
	v1 =	vimm.s32 $0x0;
	[tilespmem:v13+s8+$0x0] =	vst.idx.add.s32.msk vm2, v4;
	s8 =	simm.s32 $0x0  }
0x6f: {  	s31 =	sand.u32 $0x3E0, s9;
	v3 =	vld [tilespmem:s8+$0x3500];
	[tilespmem:s8+$0x3500] =	vst v1  }
0x70: {  	v4 =	vld [tilespmem:s31+$0x3900]  }
0x71: {  	v5 =	vld [tilespmem:s31+$0x3D00]  }
0x72: {  	v6 =	vld [tilespmem:s31+$0x4100]  }
0x73: {  	v7 =	vld [tilespmem:s31+$0x4500]  }
0x74: {  	v8 =	vld [tilespmem:s31+$0x4900]  }
0x75: {  	v35 =	vld [tilespmem:s31+$0x4D00];
	[tilespmem:s31+$0x3900] =	vst v3;
	v3 =	vadd.s32 v3, v4  }
0x76: {  	v4 =	vld [tilespmem:s8+$0x3510];
	[tilespmem:s31+$0x3D00] =	vst v3;
	v3 =	vadd.s32 v3, v5  }
0x77: {  	v5 =	vld [tilespmem:s8+$0x3910];
	[tilespmem:s31+$0x4100] =	vst v3;
	v3 =	vadd.s32 v3, v6  }
0x78: {  	v10 =	vld [tilespmem:s31+$0x5100];
	[tilespmem:s31+$0x4500] =	vst v3;
	v3 =	vadd.s32 v3, v7  }
0x79: {  	v6 =	vld [tilespmem:s8+$0x3D10];
	[tilespmem:s31+$0x4900] =	vst v3;
	v3 =	vadd.s32 v3, v8  }
0x7a: {  	v36 =	vld [tilespmem:s31+$0x5500];
	[tilespmem:s31+$0x4D00] =	vst v3  }
0x7b: {  	v7 =	vld [tilespmem:s8+$0x4110];
	v3 =	vadd.s32 v3, v35;
	[tilespmem:s8+$0x3910] =	vst v4  }
0x7c: {  	v37 =	vld [tilespmem:s31+$0x5900];
	[tilespmem:s31+$0x5100] =	vst v3;
	v4 =	vadd.s32 v4, v5  }
0x7d: {  	v8 =	vld [tilespmem:s8+$0x4510];
	v3 =	vadd.s32 v3, v10;
	[tilespmem:s8+$0x3D10] =	vst v4  }
0x7e: {  	v38 =	vld [tilespmem:s31+$0x5D00];
	[tilespmem:s31+$0x5500] =	vst v3;
	v4 =	vadd.s32 v4, v6  }
0x7f: {  	v12 =	vld [tilespmem:s8+$0x4910];
	v3 =	vadd.s32 v3, v36;
	[tilespmem:s8+$0x4110] =	vst v4  }
0x80: {  	v39 =	vld [tilespmem:s31+$0x6100];
	[tilespmem:s31+$0x5900] =	vst v3;
	v4 =	vadd.s32 v4, v7  }
0x81: {  	v5 =	vld [tilespmem:s8+$0x4D10];
	v3 =	vadd.s32 v3, v37;
	[tilespmem:s8+$0x4510] =	vst v4  }
0x82: {  	v40 =	vld [tilespmem:s31+$0x6500];
	[tilespmem:s31+$0x5D00] =	vst v3;
	v4 =	vadd.s32 v4, v8  }
0x83: {  	v6 =	vld [tilespmem:s8+$0x5110];
	v3 =	vadd.s32 v3, v38;
	[tilespmem:s8+$0x4910] =	vst v4  }
0x84: {  	v41 =	vld [tilespmem:s31+$0x6900];
	[tilespmem:s31+$0x6100] =	vst v3;
	v4 =	vadd.s32 v4, v12  }
0x85: {  	v7 =	vld [tilespmem:s8+$0x5510];
	v3 =	vadd.s32 v3, v39;
	[tilespmem:s8+$0x4D10] =	vst v4  }
0x86: {  	v43 =	vld [tilespmem:s31+$0x6D00];
	[tilespmem:s31+$0x6500] =	vst v3;
	v4 =	vadd.s32 v4, v5  }
0x87: {  	v8 =	vld [tilespmem:s8+$0x5910];
	v3 =	vadd.s32 v3, v40;
	[tilespmem:s8+$0x5110] =	vst v4  }
0x88: {  	v44 =	vld [tilespmem:s31+$0x7100];
	[tilespmem:s31+$0x6900] =	vst v3;
	v4 =	vadd.s32 v4, v6  }
0x89: {  	v42 =	vld [tilespmem:s8+$0x5D10];
	v3 =	vadd.s32 v3, v41;
	[tilespmem:s8+$0x5510] =	vst v4  }
0x8a: {  	v45 =	vld [tilespmem:s31+$0x7500];
	[tilespmem:s31+$0x6D00] =	vst v3;
	v4 =	vadd.s32 v4, v7  }
0x8b: {  	v5 =	vld [tilespmem:s8+$0x6110];
	v3 =	vadd.s32 v3, v43;
	[tilespmem:s8+$0x5910] =	vst v4  }
0x8c: {  	v46 =	vld [tilespmem:s31+$0x7900];
	[tilespmem:s31+$0x7100] =	vst v3;
	v4 =	vadd.s32 v4, v8  }
0x8d: {  	v6 =	vld [tilespmem:s8+$0x6510];
	v3 =	vadd.s32 v3, v44;
	[tilespmem:s8+$0x5D10] =	vst v4  }
0x8e: {  	v47 =	vld [tilespmem:s31+$0x7D00];
	[tilespmem:s31+$0x7500] =	vst v3;
	v4 =	vadd.s32 v4, v42  }
0x8f: {  	v7 =	vld [tilespmem:s8+$0x6910];
	v3 =	vadd.s32 v3, v45;
	[tilespmem:s8+$0x6110] =	vst v4  }
0x90: {  	v49 =	vld [tilespmem:s31+$0x8100];
	[tilespmem:s31+$0x7900] =	vst v3;
	v4 =	vadd.s32 v4, v5  }
0x91: {  	v8 =	vld [tilespmem:s8+$0x6D10];
	v3 =	vadd.s32 v3, v46;
	[tilespmem:s8+$0x6510] =	vst v4  }
0x92: {  	v50 =	vld [tilespmem:s31+$0x8500];
	[tilespmem:s31+$0x7D00] =	vst v3;
	v4 =	vadd.s32 v4, v6  }
0x93: {  	v48 =	vld [tilespmem:s8+$0x7110];
	v3 =	vadd.s32 v3, v47;
	[tilespmem:s8+$0x6910] =	vst v4  }
0x94: {  	v51 =	vld [tilespmem:s31+$0x8900];
	[tilespmem:s31+$0x8100] =	vst v3;
	v4 =	vadd.s32 v4, v7  }
0x95: {  	v5 =	vld [tilespmem:s8+$0x7510];
	v3 =	vadd.s32 v3, v49;
	[tilespmem:s8+$0x6D10] =	vst v4  }
0x96: {  	v52 =	vld [tilespmem:s31+$0x8D00];
	[tilespmem:s31+$0x8500] =	vst v3;
	v4 =	vadd.s32 v4, v8  }
0x97: {  	v6 =	vld [tilespmem:s8+$0x7910];
	v3 =	vadd.s32 v3, v50;
	[tilespmem:s8+$0x7110] =	vst v4  }
0x98: {  	v53 =	vld [tilespmem:s31+$0x9100];
	[tilespmem:s31+$0x8900] =	vst v3;
	v4 =	vadd.s32 v4, v48  }
0x99: {  	v7 =	vld [tilespmem:s8+$0x7D10];
	v3 =	vadd.s32 v3, v51;
	[tilespmem:s8+$0x7510] =	vst v4  }
0x9a: {  	v55 =	vld [tilespmem:s31+$0x9500];
	[tilespmem:s31+$0x8D00] =	vst v3;
	v4 =	vadd.s32 v4, v5  }
0x9b: {  	v8 =	vld [tilespmem:s8+$0x8110];
	v3 =	vadd.s32 v3, v52;
	[tilespmem:s8+$0x7910] =	vst v4  }
0x9c: {  	v56 =	vld [tilespmem:s31+$0x9900];
	[tilespmem:s31+$0x9100] =	vst v3;
	v4 =	vadd.s32 v4, v6  }
0x9d: {  	v54 =	vld [tilespmem:s8+$0x8510];
	v3 =	vadd.s32 v3, v53;
	[tilespmem:s8+$0x7D10] =	vst v4  }
0x9e: {  	v57 =	vld [tilespmem:s31+$0x9D00];
	[tilespmem:s31+$0x9500] =	vst v3;
	v4 =	vadd.s32 v4, v7  }
0x9f: {  	v5 =	vld [tilespmem:s8+$0x8910];
	v3 =	vadd.s32 v3, v55;
	[tilespmem:s8+$0x8110] =	vst v4  }
0xa0: {  	v58 =	vld [tilespmem:s31+$0xA100];
	[tilespmem:s31+$0x9900] =	vst v3;
	v4 =	vadd.s32 v4, v8  }
0xa1: {  	v6 =	vld [tilespmem:s8+$0x8D10];
	v3 =	vadd.s32 v3, v56;
	[tilespmem:s8+$0x8510] =	vst v4  }
0xa2: {  	v59 =	vld [tilespmem:s31+$0xA500];
	[tilespmem:s31+$0x9D00] =	vst v3;
	v4 =	vadd.s32 v4, v54  }
0xa3: {  	v7 =	vld [tilespmem:s8+$0x9110];
	v3 =	vadd.s32 v3, v57;
	[tilespmem:s8+$0x8910] =	vst v4  }
0xa4: {  	v61 =	vld [tilespmem:s31+$0xA900];
	[tilespmem:s31+$0xA100] =	vst v3;
	v4 =	vadd.s32 v4, v5  }
0xa5: {  	v8 =	vld [tilespmem:s8+$0x9510];
	v3 =	vadd.s32 v3, v58;
	[tilespmem:s8+$0x8D10] =	vst v4  }
0xa6: {  	v60 =	vld [tilespmem:s8+$0x9910];
	[tilespmem:s31+$0xA500] =	vst v3;
	v4 =	vadd.s32 v4, v6  }
0xa7: {  	v5 =	vld [tilespmem:s31+$0xAD00];
	v6 =	vadd.s32 v3, v59;
	[tilespmem:s8+$0x9110] =	vst v4  }
0xa8: {  	v63 =	vld [tilespmem:s31+$0xB100];
	[tilespmem:s31+$0xA900] =	vst v6;
	v4 =	vadd.s32 v4, v7  }
0xa9: {  	v13 =	vld [tilespmem:s8+$0x9D10];
	v6 =	vadd.s32 v6, v61;
	[tilespmem:s8+$0x9510] =	vst v4  }
0xaa: {  	v62 =	vld [tilespmem:s8+$0xA110];
	[tilespmem:s31+$0xAD00] =	vst v6;
	v7 =	vadd.s32 v4, v8  }
0xab: {  	v3 =	vld [tilespmem:s8+$0xA510];
	[tilespmem:s8+$0x9910] =	vst v7;
	v7 =	vadd.s32 v7, v60  }
0xac: {  	v4 =	vld [tilespmem:s8+$0xA910];
	v6 =	vadd.s32 v6, v5;
	[tilespmem:s8+$0x9D10] =	vst v7  }
0xad: {  	v5 =	vld [tilespmem:s8+$0xAD10];
	[tilespmem:s31+$0xB100] =	vst v6;
	v6 =	vadd.s32 v6, v63  }
0xae: {  	v7 =	vadd.s32 v7, v13;
	[tilespmem:s8+$0x16A80] =	vst v6;
	v6 =	vld [tilespmem:s8+$0xB110]  }
0xaf: {  	v0 =	vsel vm0, v0, v2;
	s10 =	simm.s32 $0x0;
	s11 =	simm.s32 $0x80;
	[tilespmem:s8+$0xA110] =	vst v7;
	v2 =	vadd.s32 v7, v62  }
.LBB2_7:
0xb0: {  	s13 =	sshra.s32 s11, $0x2;
	s10 =	sadd.s32 $0x2, s10;
	[tilespmem:s8+$0xA510] =	vst v2;
	v2 =	vadd.s32 v2, v3;
	s9 =	sadd.s32 $0x20, s9  }
0xb1: {  	v3 =	vld [tilespmem:s13+$0x3500];
	[tilespmem:s13+$0x3500] =	vst v1;
	s12 =	sand.u32 $0x3E0, s9;
	p0 =	slt.u32 s10, $0x3E;
	v4 =	vadd.s32 v2, v4  }
0xb2: {  	v7 =	vld [tilespmem:s12+$0x3900];
	[tilespmem:s8+$0xAD10] =	vst v4;
	v4 =	vadd.s32 v4, v5  }
0xb3: {  	v5 =	vld [tilespmem:s12+$0x3D00];
	[tilespmem:s8+$0xB110] =	vst v4;
	v4 =	vadd.s32 v4, v6  }
0xb4: {  	v6 =	vld [tilespmem:s12+$0x4100];
	[tilespmem:s8+$0x16A90] =	vst v4  }
0xb5: {  	v4 =	vld [tilespmem:s12+$0x4500];
	[tilespmem:s8+$0xA910] =	vst v2  }
0xb6: {  	v2 =	vld [tilespmem:s12+$0x4900];
	[tilespmem:s8+$0x3510] =	vst v1;
	s8 =	smov.u32 s13  }
0xb7: {  	[tilespmem:s12+$0x3900] =	vst v3;
	v3 =	vadd.s32 v3, v7;
	v7 =	vld [tilespmem:s12+$0x4D00]  }
0xb8: {  	[tilespmem:s12+$0x3D00] =	vst v3;
	v3 =	vadd.s32 v3, v5;
	v5 =	vld [tilespmem:s12+$0x5100]  }
0xb9: {  	[tilespmem:s12+$0x4100] =	vst v3;
	v3 =	vadd.s32 v3, v6;
	v6 =	vld [tilespmem:s12+$0x5500]  }
0xba: {  	[tilespmem:s12+$0x4500] =	vst v3;
	v3 =	vadd.s32 v3, v4;
	v4 =	vld [tilespmem:s12+$0x5900]  }
0xbb: {  	[tilespmem:s12+$0x4900] =	vst v3;
	v2 =	vadd.s32 v3, v2;
	v3 =	vld [tilespmem:s12+$0x5D00]  }
0xbc: {  	[tilespmem:s12+$0x4D00] =	vst v2;
	v2 =	vadd.s32 v2, v7;
	v7 =	vld [tilespmem:s12+$0x6100]  }
0xbd: {  	[tilespmem:s12+$0x5100] =	vst v2;
	v2 =	vadd.s32 v2, v5;
	v5 =	vld [tilespmem:s12+$0x6500]  }
0xbe: {  	[tilespmem:s12+$0x5500] =	vst v2;
	v2 =	vadd.s32 v2, v6;
	v6 =	vld [tilespmem:s12+$0x6900]  }
0xbf: {  	[tilespmem:s12+$0x5900] =	vst v2;
	v2 =	vadd.s32 v2, v4;
	v4 =	vld [tilespmem:s12+$0x6D00]  }
0xc0: {  	[tilespmem:s12+$0x5D00] =	vst v2;
	v2 =	vadd.s32 v2, v3;
	v3 =	vld [tilespmem:s12+$0x7100]  }
0xc1: {  	[tilespmem:s12+$0x6100] =	vst v2;
	v2 =	vadd.s32 v2, v7;
	v7 =	vld [tilespmem:s12+$0x7500]  }
0xc2: {  	[tilespmem:s12+$0x6500] =	vst v2;
	v2 =	vadd.s32 v2, v5;
	v5 =	vld [tilespmem:s12+$0x7900]  }
0xc3: {  	[tilespmem:s12+$0x6900] =	vst v2;
	v2 =	vadd.s32 v2, v6;
	v6 =	vld [tilespmem:s12+$0x7D00]  }
0xc4: {  	[tilespmem:s12+$0x6D00] =	vst v2;
	v2 =	vadd.s32 v2, v4;
	v4 =	vld [tilespmem:s12+$0x8100]  }
0xc5: {  	[tilespmem:s12+$0x7100] =	vst v2;
	v2 =	vadd.s32 v2, v3;
	v3 =	vld [tilespmem:s12+$0x8500]  }
0xc6: {  	[tilespmem:s12+$0x7500] =	vst v2;
	v2 =	vadd.s32 v2, v7;
	v7 =	vld [tilespmem:s12+$0x8900]  }
0xc7: {  	[tilespmem:s12+$0x7900] =	vst v2;
	v2 =	vadd.s32 v2, v5;
	v5 =	vld [tilespmem:s12+$0x8D00]  }
0xc8: {  	[tilespmem:s12+$0x7D00] =	vst v2;
	v2 =	vadd.s32 v2, v6;
	v6 =	vld [tilespmem:s12+$0x9100]  }
0xc9: {  	[tilespmem:s12+$0x8100] =	vst v2;
	v2 =	vadd.s32 v2, v4;
	v4 =	vld [tilespmem:s12+$0x9500]  }
0xca: {  	[tilespmem:s12+$0x8500] =	vst v2;
	v2 =	vadd.s32 v2, v3;
	v3 =	vld [tilespmem:s12+$0x9900]  }
0xcb: {  	[tilespmem:s12+$0x8900] =	vst v2;
	v2 =	vadd.s32 v2, v7;
	v7 =	vld [tilespmem:s12+$0x9D00]  }
0xcc: {  	[tilespmem:s12+$0x8D00] =	vst v2;
	v2 =	vadd.s32 v2, v5;
	v5 =	vld [tilespmem:s12+$0xA100]  }
0xcd: {  	[tilespmem:s12+$0x9100] =	vst v2;
	v2 =	vadd.s32 v2, v6;
	v6 =	vld [tilespmem:s12+$0xA500]  }
0xce: {  	[tilespmem:s12+$0x9500] =	vst v2;
	v2 =	vadd.s32 v2, v4;
	v4 =	vld [tilespmem:s12+$0xA900]  }
0xcf: {  	[tilespmem:s12+$0x9900] =	vst v2;
	v2 =	vadd.s32 v2, v3;
	v3 =	vld [tilespmem:s12+$0xAD00]  }
0xd0: {  	[tilespmem:s12+$0x9D00] =	vst v2;
	v2 =	vadd.s32 v2, v7;
	v7 =	vld [tilespmem:s12+$0xB100]  }
0xd1: {  	[tilespmem:s12+$0xA100] =	vst v2;
	v2 =	vadd.s32 v2, v5;
	v5 =	vld [tilespmem:s8+$0x3510]  }
0xd2: {  	[tilespmem:s12+$0xA500] =	vst v2;
	v2 =	vadd.s32 v2, v6;
	v6 =	vld [tilespmem:s8+$0x3910]  }
0xd3: {  	[tilespmem:s12+$0xA900] =	vst v2;
	v2 =	vadd.s32 v2, v4;
	v4 =	vld [tilespmem:s8+$0x3D10]  }
0xd4: {  	[tilespmem:s12+$0xAD00] =	vst v2;
	v2 =	vadd.s32 v2, v3;
	v3 =	vld [tilespmem:s8+$0x4110]  }
0xd5: {  	[tilespmem:s12+$0xB100] =	vst v2;
	v2 =	vadd.s32 v2, v7;
	v7 =	vld [tilespmem:s8+$0x4510]  }
0xd6: {  	[tilespmem:s8+$0x16A80] =	vst v2;
	v2 =	vld [tilespmem:s8+$0x4910]  }
0xd7: {  	[tilespmem:s8+$0x3910] =	vst v5;
	v5 =	vadd.s32 v5, v6;
	v6 =	vld [tilespmem:s8+$0x4D10]  }
0xd8: {  	[tilespmem:s8+$0x3D10] =	vst v5;
	v4 =	vadd.s32 v5, v4;
	v5 =	vld [tilespmem:s8+$0x5110]  }
0xd9: {  	[tilespmem:s8+$0x4110] =	vst v4;
	v3 =	vadd.s32 v4, v3;
	v4 =	vld [tilespmem:s8+$0x5510]  }
0xda: {  	[tilespmem:s8+$0x4510] =	vst v3;
	v3 =	vadd.s32 v3, v7;
	v7 =	vld [tilespmem:s8+$0x5910]  }
0xdb: {  	[tilespmem:s8+$0x4910] =	vst v3;
	v2 =	vadd.s32 v3, v2;
	v3 =	vld [tilespmem:s8+$0x5D10]  }
0xdc: {  	[tilespmem:s8+$0x4D10] =	vst v2;
	v2 =	vadd.s32 v2, v6;
	v6 =	vld [tilespmem:s8+$0x6110]  }
0xdd: {  	[tilespmem:s8+$0x5110] =	vst v2;
	v2 =	vadd.s32 v2, v5;
	v5 =	vld [tilespmem:s8+$0x6510]  }
0xde: {  	[tilespmem:s8+$0x5510] =	vst v2;
	v2 =	vadd.s32 v2, v4;
	v4 =	vld [tilespmem:s8+$0x6910]  }
0xdf: {  	[tilespmem:s8+$0x5910] =	vst v2;
	v2 =	vadd.s32 v2, v7;
	v7 =	vld [tilespmem:s8+$0x6D10]  }
0xe0: {  	[tilespmem:s8+$0x5D10] =	vst v2;
	v2 =	vadd.s32 v2, v3;
	v3 =	vld [tilespmem:s8+$0x7110]  }
0xe1: {  	[tilespmem:s8+$0x6110] =	vst v2;
	v2 =	vadd.s32 v2, v6;
	v6 =	vld [tilespmem:s8+$0x7510]  }
0xe2: {  	[tilespmem:s8+$0x6510] =	vst v2;
	v2 =	vadd.s32 v2, v5;
	v5 =	vld [tilespmem:s8+$0x7910]  }
0xe3: {  	[tilespmem:s8+$0x6910] =	vst v2;
	v2 =	vadd.s32 v2, v4;
	v4 =	vld [tilespmem:s8+$0x7D10]  }
0xe4: {  	[tilespmem:s8+$0x6D10] =	vst v2;
	v2 =	vadd.s32 v2, v7;
	v7 =	vld [tilespmem:s8+$0x8110]  }
0xe5: {  	[tilespmem:s8+$0x7110] =	vst v2;
	v2 =	vadd.s32 v2, v3;
	v3 =	vld [tilespmem:s8+$0x8510]  }
0xe6: {  	[tilespmem:s8+$0x7510] =	vst v2;
	v2 =	vadd.s32 v2, v6;
	v6 =	vld [tilespmem:s8+$0x8910]  }
0xe7: {  	[tilespmem:s8+$0x7910] =	vst v2;
	v2 =	vadd.s32 v2, v5;
	v5 =	vld [tilespmem:s8+$0x8D10]  }
0xe8: {  	[tilespmem:s8+$0x7D10] =	vst v2;
	v2 =	vadd.s32 v2, v4;
	v4 =	vld [tilespmem:s8+$0x9110]  }
0xe9: {  	[tilespmem:s8+$0x8110] =	vst v2;
	v2 =	vadd.s32 v2, v7;
	v7 =	vld [tilespmem:s8+$0x9510]  }
0xea: {  	[tilespmem:s8+$0x8510] =	vst v2;
	v2 =	vadd.s32 v2, v3;
	v8 =	vld [tilespmem:s8+$0x9910]  }
0xeb: {  	[tilespmem:s8+$0x8910] =	vst v2;
	v2 =	vadd.s32 v2, v6;
	v6 =	vld [tilespmem:s8+$0x9D10]  }
0xec: {  	[tilespmem:s8+$0x8D10] =	vst v2;
	v2 =	vadd.s32 v2, v5;
	v9 =	vld [tilespmem:s8+$0xA110]  }
.Ltmp3:
0xed: {  	[tilespmem:s8+$0x9110] =	vst v2;
	v2 =	vadd.s32 v2, v4;
	v3 =	vld [tilespmem:s8+$0xA510];
	(pc) =	sbr.rel @p0 .LBB2_7-.Ltmp3, $4  }
0xee: {  	[tilespmem:s8+$0x9510] =	vst v2;
	v2 =	vadd.s32 v2, v7;
	v4 =	vld [tilespmem:s8+$0xA910]  }
0xef: {  	[tilespmem:s8+$0x9910] =	vst v2;
	v2 =	vadd.s32 v2, v8;
	v5 =	vld [tilespmem:s8+$0xAD10]  }
0xf0: {  	[tilespmem:s8+$0x9D10] =	vst v2;
	v2 =	vadd.s32 v2, v6;
	v6 =	vld [tilespmem:s8+$0xB110]  }
0xf1: {  	s11 =	sadd.s32 $0x80, s11;
	[tilespmem:s8+$0xA110] =	vst v2;
	v2 =	vadd.s32 v2, v9  }
0xf2: {  	[tilespmem:s8+$0xA510] =	vst v2  }
0xf3: {  	v3 =	vadd.s32 v2, v3;
	[tilespmem:s8+$0x3510] =	vst v1  }
0xf4: {  	v2 =	vadd.s32 v3, v4;
	[tilespmem:s8+$0xA910] =	vst v3  }
0xf5: {  	[tilespmem:s8+$0xAD10] =	vst v2;
	v2 =	vadd.s32 v2, v5  }
0xf6: {  	s9 =	sshll.u32 s1, $0xA;
	[tilespmem:s8+$0xB110] =	vst v2;
	v2 =	vadd.s32 v2, v6  }
0xf7: {  	s22 =	simm.s32 $0x16A80;
	s23 =	simm.s32 $0x3;
	s21 =	sadd.s32 s9, s7;
	[tilespmem:s8+$0x16A90] =	vst v2  }
0xf8: {  	[spmem:s21] =	stream.linear.scatter [tilespmem:s22], [sflag:$0x3], $0x400, $0x38;
	[tilespmem:$0x1E480] =	vst v63  }
0xf9: {  	_ =	swait.ge [sflag:s23], $0x400  }
0xfa: {  	[sflag:s23] =	ssyncset.done $0x0  }
0xfb: {  	[sflag:s23] =	ssyncadd.s32 $0xFFFFFC00  }
0xfc: {  	s24 =	simm.s32 $0x1A080;
	[bflag:$0x0] =	sbarrier.arrive $0xFFFF  }
0xfd: {  	[tilespmem:s24], [sflag:$0x3] =	stream.linear.gather [spmem:s7], $0x4000, $0x38;
	[tilespmem:$0x1E480] =	vst v63  }
0xfe: {  	_ =	swait.ge [sflag:s23], $0x4000  }
0xff: {  	[sflag:s23] =	ssyncset.done $0x0  }
0x100: {  	s11 =	simm.s32 $0x1C090;
	s7 =	simm.s32 $0x0;
	[sflag:s23] =	ssyncadd.s32 $0xFFFFC000  }
0x101: {  	s25 =	sand.u32 $0x3E0, s7;
	v1 =	vld [tilespmem:s11+$0xFFFFDFF0]  }
0x102: {  	v2 =	vld [tilespmem:s25+$0x1A480]  }
0x103: {  	p1 =	sgt.u32 s1, $0x1;
	v3 =	vld [tilespmem:s25+$0x1A880]  }
0x104: {  	s9 =	simm.s32 @!p1 $0x0;
	v4 =	vld [tilespmem:s25+$0x1AC80]  }
0x105: {  	p0 =	sgt.u32 s1, $0x2;
	s9 =	simm.s32 @p1 $0x1;
	v5 =	vld [tilespmem:s25+$0x1B080]  }
0x106: {  	v6 =	vld [tilespmem:s25+$0x1B480];
	[smem:$0x7F4] =	sst s9;
	s9 =	simm.s32 @!p0 $0x0  }
0x107: {  	p5 =	seq.s32 s1, $0x0;
	s9 =	simm.s32 @p0 $0x1;
	v8 =	vadd.s32 v1, v2;
	v2 =	vpsel !p1, $0x0, v2;
	p1 =	sgt.u32 s1, $0x3  }
0x108: {  	v7 =	vld [tilespmem:s25+$0x1B880];
	[smem:$0x7F5] =	sst s9;
	v1 =	vpsel p5, $0x0, v1;
	s9 =	simm.s32 @!p1 $0x0  }
0x109: {  	v1 =	vadd.s32 v1, v2;
	v2 =	vpsel !p0, $0x0, v3;
	p0 =	sgt.u32 s1, $0x4;
	s9 =	simm.s32 @p1 $0x1  }
0x10a: {  	v9 =	vld [tilespmem:s25+$0x1BC80];
	[smem:$0x7F6] =	sst s9;
	s9 =	simm.s32 @!p0 $0x0  }
0x10b: {  	v1 =	vadd.s32 v2, v1;
	v2 =	vpsel !p1, $0x0, v4;
	p1 =	sgt.u32 s1, $0x5;
	s9 =	simm.s32 @p0 $0x1  }
0x10c: {  	v8 =	vadd.s32 v3, v8;
	v3 =	vld [tilespmem:s25+$0x1C080];
	[smem:$0x7F7] =	sst s9;
	s9 =	simm.s32 @!p1 $0x0  }
0x10d: {  	s9 =	simm.s32 @p1 $0x1  }
0x10e: {  	v8 =	vadd.s32 v4, v8;
	v1 =	vadd.s32 v2, v1;
	v2 =	vpsel !p0, $0x0, v5;
	v4 =	vld [tilespmem:s25+$0x1C480];
	[smem:$0x7F8] =	sst s9  }
0x10f: {  	p6 =	sgt.u32 s1, $0x6;
	v8 =	vadd.s32 v5, v8;
	v1 =	vadd.s32 v2, v1;
	v2 =	vpsel !p1, $0x0, v6;
	v5 =	vld [tilespmem:s25+$0x1C880]  }
0x110: {  	p2 =	sgt.u32 s1, $0x7;
	v8 =	vadd.s32 v6, v8;
	v1 =	vadd.s32 v2, v1;
	v2 =	vpsel !p6, $0x0, v7;
	v6 =	vld [tilespmem:s25+$0x1CC80]  }
0x111: {  	v1 =	vadd.s32 v2, v1;
	v2 =	vpsel !p2, $0x0, v9;
	p1 =	sgt.u32 s1, $0x8  }
0x112: {  	p3 =	sgt.u32 s1, $0x9;
	v8 =	vadd.s32 v7, v8;
	v1 =	vadd.s32 v2, v1;
	v7 =	vld [tilespmem:s25+$0x1D080];
	v2 =	vpsel !p1, $0x0, v3  }
0x113: {  	p4 =	sgt.u32 s1, $0xA;
	p0 =	sgt.u32 s1, $0xB;
	v8 =	vadd.s32 v9, v8;
	v9 =	vld [tilespmem:s25+$0x1D480];
	v1 =	vadd.s32 v2, v1;
	v2 =	vpsel !p3, $0x0, v4  }
0x114: {  	s8 =	simm.s32 @!p0 $0x0;
	v8 =	vadd.s32 v3, v8;
	v3 =	vld [tilespmem:s25+$0x1D880];
	v1 =	vadd.s32 v2, v1;
	v2 =	vpsel !p4, $0x0, v5  }
0x115: {  	s8 =	simm.s32 @p0 $0x1;
	v8 =	vadd.s32 v4, v8;
	v4 =	vld [tilespmem:s25+$0x1DC80];
	v1 =	vadd.s32 v2, v1;
	v2 =	vpsel !p0, $0x0, v6;
	p0 =	sgt.u32 s1, $0xC  }
0x116: {  	v8 =	vadd.s32 v5, v8;
	v5 =	vld [tilespmem:s11+$0xFFFFE000];
	[smem:$0x7EF] =	sst s8;
	s8 =	simm.s32 @!p0 $0x0  }
0x117: {  	s26 =	sld [smem:$0x7F4];
	v1 =	vadd.s32 v2, v1;
	v2 =	vpsel !p0, $0x0, v7;
	s8 =	simm.s32 @p0 $0x1;
	p0 =	sgt.u32 s1, $0xD  }
0x118: {  	v8 =	vadd.s32 v6, v8;
	v6 =	vld [tilespmem:s11+$0xFFFFE400];
	[smem:$0x7F0] =	sst s8;
	s8 =	simm.s32 @!p0 $0x0  }
0x119: {  	s28 =	sld [smem:$0x7F5];
	v1 =	vadd.s32 v2, v1;
	v2 =	vpsel !p0, $0x0, v9;
	s8 =	simm.s32 @p0 $0x1;
	p0 =	seq.s32 s1, $0xF  }
0x11a: {  	v8 =	vadd.s32 v7, v8;
	v7 =	vld [tilespmem:s11+$0xFFFFE800];
	[smem:$0x7F1] =	sst s8;
	s8 =	simm.s32 @!p0 $0x0  }
0x11b: {  	s29 =	sld [smem:$0x7F6];
	s8 =	simm.s32 @p0 $0x1  }
0x11c: {  	v8 =	vadd.s32 v9, v8;
	v9 =	vld [tilespmem:s11+$0xFFFFEC00];
	[smem:$0x7F2] =	sst s8;
	s8 =	simm.s32 @!p5 $0x0  }
0x11d: {  	s30 =	sld [smem:$0x7F7];
	v8 =	vadd.s32 v3, v8;
	v1 =	vadd.s32 v2, v1;
	v2 =	vpsel !p0, $0x0, v3;
	v3 =	vld [tilespmem:s11+$0xFFFFF000];
	s8 =	simm.s32 @p5 $0x1  }
0x11e: {  	v4 =	vadd.s32 v4, v8;
	v8 =	vadd.s32 v2, v1;
	v2 =	vpsel p5, $0x0, v5;
	v1 =	vld [tilespmem:s11+$0xFFFFF400];
	p5 =	seq.s32 s26, $0x1;
	[smem:$0x7F3] =	sst s8  }
0x11f: {  	v5 =	vadd.s32 v5, v6;
	v6 =	vpsel !p5, $0x0, v6;
	p5 =	seq.s32 s28, $0x1;
	v10 =	vld [tilespmem:s11+$0xFFFFF800]  }
0x120: {  	s31 =	sld [smem:$0x7F8];
	v5 =	vadd.s32 v7, v5;
	v2 =	vadd.s32 v2, v6;
	v6 =	vpsel !p5, $0x0, v7;
	v7 =	vld [tilespmem:s11+$0xFFFFFC00];
	p5 =	seq.s32 s29, $0x1  }
0x121: {  	s8 =	simm.s32 @!p6 $0x0;
	v2 =	vadd.s32 v6, v2;
	v5 =	vadd.s32 v9, v5;
	v6 =	vpsel !p5, $0x0, v9;
	v9 =	vld [tilespmem:s11+$0x0];
	p5 =	seq.s32 s30, $0x1  }
0x122: {  	s8 =	simm.s32 @p6 $0x1;
	v2 =	vadd.s32 v6, v2;
	v6 =	vld [tilespmem:s11+$0x400];
	v5 =	vadd.s32 v3, v5;
	v3 =	vpsel !p5, $0x0, v3  }
0x123: {  	p5 =	seq.s32 s31, $0x1;
	v2 =	vadd.s32 v3, v2;
	v3 =	vadd.s32 v1, v5;
	v5 =	vld [tilespmem:s11+$0x800];
	[smem:$0x7F9] =	sst s8;
	s8 =	simm.s32 @!p2 $0x0  }
0x124: {  	s9 =	simm.s32 @!p1 $0x0;
	v1 =	vpsel !p5, $0x0, v1;
	s8 =	simm.s32 @p2 $0x1  }
0x125: {  	s9 =	simm.s32 @p1 $0x1;
	v2 =	vadd.s32 v1, v2;
	v3 =	vadd.s32 v10, v3;
	v10 =	vpsel !p6, $0x0, v10;
	v1 =	vld [tilespmem:s11+$0xC00];
	[smem:$0x7FA] =	sst s8  }
0x126: {  	s10 =	simm.s32 @!p3 $0x0;
	v10 =	vadd.s32 v10, v2;
	s8 =	simm.s32 $0xB510;
	v2 =	vld [tilespmem:s11+$0x1000];
	[smem:$0x7FB] =	sst s9  }
0x127: {  	s10 =	simm.s32 @p3 $0x1;
	v3 =	vadd.s32 v7, v3;
	v7 =	vpsel !p2, $0x0, v7;
	[tilespmem:s8+$0xFFFFFFF0] =	vst v4  }
0x128: {  	s12 =	simm.s32 @!p4 $0x0;
	v7 =	vadd.s32 v7, v10;
	v10 =	vadd.s32 v9, v3;
	s9 =	simm.s32 $0xEB10;
	v3 =	vld [tilespmem:s11+$0x1400];
	[smem:$0x7FC] =	sst s10  }
0x129: {  	s12 =	simm.s32 @p4 $0x1;
	v9 =	vpsel !p1, $0x0, v9;
	[tilespmem:s9+$0xFFFFFFF0] =	vst v8  }
0x12a: {  	v7 =	vadd.s32 v9, v7;
	v9 =	vadd.s32 v6, v10;
	v6 =	vpsel !p3, $0x0, v6;
	v4 =	vld [tilespmem:s11+$0x1800];
	[smem:$0x7FD] =	sst s12  }
0x12b: {  	s10 =	simm.s32 $0x0;
	v6 =	vadd.s32 v6, v7;
	v7 =	vadd.s32 v5, v9;
	v8 =	vpsel !p4, $0x0, v5;
	s12 =	simm.s32 $0x20;
	v5 =	vld [tilespmem:s11+$0x1C00];
	s11 =	simm.s32 $0x1C0B0  }
.LBB2_9:
0x12c: {  	s14 =	sld [smem:$0x7EF]  }
0x12d: {  	s23 =	sld [smem:$0x7F0]  }
0x12e: {  	s24 =	sld [smem:$0x7F1]  }
0x12f: {  	v9 =	vld [tilespmem:s11+$0xFFFFDFF0];
	s13 =	sand.u32 $0x3E0, s12;
	s25 =	sld [smem:$0x7F2];
	p0 =	seq.s32 s14, $0x1  }
0x130: {  	v6 =	vadd.s32 v8, v6;
	v8 =	vld [tilespmem:s13+$0x1A480];
	p4 =	seq.s32 s23, $0x1;
	v7 =	vadd.s32 v1, v7;
	v1 =	vpsel !p0, $0x0, v1  }
0x131: {  	s26 =	sld [smem:$0x7F3];
	p5 =	seq.s32 s24, $0x1;
	v1 =	vadd.s32 v1, v6;
	v6 =	vadd.s32 v2, v7;
	v2 =	vpsel !p4, $0x0, v2;
	v7 =	vld [tilespmem:s13+$0x1A880]  }
0x132: {  	s28 =	sld [smem:$0x7F4];
	p6 =	seq.s32 s25, $0x1;
	v1 =	vadd.s32 v2, v1;
	v2 =	vadd.s32 v3, v6;
	v3 =	vpsel !p5, $0x0, v3;
	v6 =	vld [tilespmem:s13+$0x1AC80]  }
0x133: {  	s29 =	sld [smem:$0x7F5];
	v1 =	vadd.s32 v3, v1;
	v2 =	vadd.s32 v4, v2;
	v3 =	vpsel !p6, $0x0, v4;
	v4 =	vld [tilespmem:s13+$0x1B080]  }
0x134: {  	s30 =	sld [smem:$0x7F6];
	v1 =	vadd.s32 v3, v1;
	v2 =	vadd.s32 v5, v2;
	v3 =	vld [tilespmem:s13+$0x1B480]  }
0x135: {  	s31 =	sld [smem:$0x7F7];
	p3 =	seq.s32 s26, $0x1;
	p2 =	seq.s32 s28, $0x1;
	v5 =	vld [tilespmem:s13+$0x1B880];
	[tilespmem:s8+$0x0] =	vst v2;
	v2 =	vadd.s32 v9, v8  }
0x136: {  	s15 =	sld [smem:$0x7F8];
	p4 =	seq.s32 s29, $0x1;
	v8 =	vpsel !p2, $0x0, v8;
	[tilespmem:s9+$0x0] =	vst v1;
	v1 =	vpsel p3, $0x0, v9;
	v2 =	vadd.s32 v7, v2;
	v9 =	vld [tilespmem:s13+$0x1BC80]  }
0x137: {  	s16 =	sld [smem:$0x7F9];
	p5 =	seq.s32 s30, $0x1;
	v7 =	vpsel !p4, $0x0, v7;
	v1 =	vadd.s32 v1, v8;
	v2 =	vadd.s32 v6, v2;
	v8 =	vld [tilespmem:s13+$0x1C080]  }
0x138: {  	s10 =	sadd.s32 $0x2, s10;
	s17 =	sld [smem:$0x7FA];
	p6 =	seq.s32 s31, $0x1;
	v6 =	vpsel !p5, $0x0, v6;
	v1 =	vadd.s32 v7, v1;
	v2 =	vadd.s32 v4, v2;
	v7 =	vld [tilespmem:s13+$0x1C480]  }
0x139: {  	s18 =	sld [smem:$0x7FB];
	p1 =	seq.s32 s15, $0x1;
	p0 =	slt.u32 s10, $0x3E;
	v4 =	vpsel !p6, $0x0, v4;
	v1 =	vadd.s32 v6, v1;
	v2 =	vadd.s32 v3, v2;
	v6 =	vld [tilespmem:s13+$0x1C880]  }
0x13a: {  	s19 =	sld [smem:$0x7FC];
	s14 =	simm.s32 @!p0 $0x0;
	v3 =	vpsel !p1, $0x0, v3;
	p1 =	seq.s32 s16, $0x1;
	v1 =	vadd.s32 v4, v1;
	v2 =	vadd.s32 v5, v2;
	v4 =	vld [tilespmem:s13+$0x1CC80]  }
0x13b: {  	s20 =	sld [smem:$0x7FD];
	s14 =	simm.s32 @p0 $0x1;
	p0 =	seq.s32 s17, $0x1;
	v1 =	vadd.s32 v3, v1;
	v3 =	vpsel !p1, $0x0, v5;
	v2 =	vadd.s32 v9, v2;
	v5 =	vld [tilespmem:s13+$0x1D080]  }
0x13c: {  	s21 =	sld [smem:$0x7EF];
	v1 =	vadd.s32 v3, v1;
	v3 =	vpsel !p0, $0x0, v9;
	v2 =	vadd.s32 v8, v2;
	v9 =	vld [tilespmem:s13+$0x1D480];
	p0 =	seq.s32 s18, $0x1  }
0x13d: {  	s22 =	sld [smem:$0x7F0];
	v1 =	vadd.s32 v3, v1;
	v3 =	vpsel !p0, $0x0, v8;
	v2 =	vadd.s32 v7, v2;
	v8 =	vld [tilespmem:s13+$0x1D880];
	p0 =	seq.s32 s19, $0x1  }
0x13e: {  	s23 =	sld [smem:$0x7F1];
	v1 =	vadd.s32 v3, v1;
	v3 =	vpsel !p0, $0x0, v7;
	v2 =	vadd.s32 v6, v2;
	v7 =	vld [tilespmem:s13+$0x1DC80];
	p0 =	seq.s32 s20, $0x1  }
0x13f: {  	s24 =	sld [smem:$0x7F2];
	v1 =	vadd.s32 v3, v1;
	v3 =	vpsel !p0, $0x0, v6;
	v2 =	vadd.s32 v4, v2;
	v6 =	vld [tilespmem:s11+$0xFFFFE000];
	p0 =	seq.s32 s21, $0x1  }
0x140: {  	v1 =	vadd.s32 v3, v1;
	v3 =	vpsel !p0, $0x0, v4;
	v2 =	vadd.s32 v5, v2;
	v4 =	vld [tilespmem:s11+$0xFFFFE400];
	p0 =	seq.s32 s22, $0x1  }
0x141: {  	v1 =	vadd.s32 v3, v1;
	v3 =	vpsel !p0, $0x0, v5;
	v2 =	vadd.s32 v9, v2;
	v5 =	vld [tilespmem:s11+$0xFFFFE800];
	p0 =	seq.s32 s23, $0x1  }
0x142: {  	v1 =	vadd.s32 v3, v1;
	v3 =	vpsel !p0, $0x0, v9;
	v2 =	vadd.s32 v8, v2;
	v9 =	vld [tilespmem:s11+$0xFFFFEC00];
	p0 =	seq.s32 s24, $0x1  }
0x143: {  	s8 =	sadd.s32 $0x20, s8;
	v1 =	vadd.s32 v3, v1;
	v3 =	vpsel !p0, $0x0, v8;
	v2 =	vadd.s32 v7, v2;
	v7 =	vld [tilespmem:s11+$0xFFFFF000]  }
0x144: {  	s25 =	sld [smem:$0x7F8];
	s9 =	sadd.s32 $0x20, s9;
	v1 =	vadd.s32 v3, v1;
	[tilespmem:s8+$0xFFFFFFF0] =	vst v2;
	v3 =	vld [tilespmem:s11+$0xFFFFF400]  }
0x145: {  	[smem:$0x7EE] =	sst s14;
	v2 =	vpsel p3, $0x0, v6;
	[tilespmem:s9+$0xFFFFFFF0] =	vst v1;
	v1 =	vadd.s32 v6, v4;
	v4 =	vpsel !p2, $0x0, v4;
	v6 =	vld [tilespmem:s11+$0xFFFFF800]  }
0x146: {  	s31 =	sld [smem:$0x7EE];
	v2 =	vadd.s32 v2, v4;
	v1 =	vadd.s32 v5, v1;
	v4 =	vpsel !p4, $0x0, v5;
	v5 =	vld [tilespmem:s11+$0xFFFFFC00]  }
0x147: {  	s26 =	sld [smem:$0x7FA];
	v8 =	vld [tilespmem:s11+$0x0];
	v2 =	vadd.s32 v4, v2;
	v1 =	vadd.s32 v9, v1;
	v4 =	vpsel !p5, $0x0, v9  }
0x148: {  	s28 =	sld [smem:$0x7FB];
	p2 =	seq.s32 s25, $0x1;
	v2 =	vadd.s32 v4, v2;
	v1 =	vadd.s32 v7, v1;
	v4 =	vpsel !p6, $0x0, v7;
	v7 =	vld [tilespmem:s11+$0x400]  }
0x149: {  	s29 =	sld [smem:$0x7FC];
	p0 =	seq.s32 s31, $0x1;
	v9 =	vld [tilespmem:s11+$0x800];
	v2 =	vadd.s32 v4, v2;
	v1 =	vadd.s32 v3, v1;
	v3 =	vpsel !p2, $0x0, v3  }
.Ltmp4:
0x14a: {  	s30 =	sld [smem:$0x7FD];
	p3 =	seq.s32 s26, $0x1;
	v2 =	vadd.s32 v3, v2;
	v3 =	vadd.s32 v6, v1;
	v4 =	vpsel !p1, $0x0, v6;
	v1 =	vld [tilespmem:s11+$0xC00];
	(pc) =	sbr.rel @p0 .LBB2_9-.Ltmp4, $4  }
0x14b: {  	p4 =	seq.s32 s28, $0x1;
	v4 =	vadd.s32 v4, v2;
	v3 =	vadd.s32 v5, v3;
	v5 =	vpsel !p3, $0x0, v5;
	v2 =	vld [tilespmem:s11+$0x1000]  }
0x14c: {  	p5 =	seq.s32 s29, $0x1;
	v6 =	vpsel !p4, $0x0, v8;
	v4 =	vadd.s32 v5, v4;
	v5 =	vadd.s32 v8, v3;
	v3 =	vld [tilespmem:s11+$0x1400]  }
0x14d: {  	p6 =	seq.s32 s30, $0x1;
	v6 =	vadd.s32 v6, v4;
	v5 =	vadd.s32 v7, v5;
	v7 =	vpsel !p5, $0x0, v7;
	v4 =	vld [tilespmem:s11+$0x1800]  }
0x14e: {  	s12 =	sadd.s32 $0x20, s12;
	v8 =	vpsel !p6, $0x0, v9;
	v6 =	vadd.s32 v7, v6;
	v7 =	vadd.s32 v9, v5;
	v5 =	vld [tilespmem:s11+$0x1C00];
	s11 =	sadd.s32 $0x20, s11  }
0x14f: {  	s10 =	sld [smem:$0x7EF]  }
0x150: {  	s29 =	sld [smem:$0x7F0]  }
0x151: {  	s30 =	sld [smem:$0x7F1]  }
0x152: {  	v7 =	vadd.s32 v1, v7;
	s31 =	sld [smem:$0x7F2];
	p0 =	seq.s32 s10, $0x1  }
0x153: {  	v6 =	vadd.s32 v8, v6;
	v7 =	vadd.s32 v2, v7;
	p4 =	seq.s32 s29, $0x1;
	v1 =	vpsel !p0, $0x0, v1  }
0x154: {  	p5 =	seq.s32 s30, $0x1;
	v2 =	vpsel !p4, $0x0, v2;
	v1 =	vadd.s32 v1, v6;
	v6 =	vadd.s32 v3, v7  }
0x155: {  	p6 =	seq.s32 s31, $0x1;
	v1 =	vadd.s32 v2, v1;
	v2 =	vpsel !p5, $0x0, v3;
	v3 =	vadd.s32 v4, v6  }
0x156: {  	v1 =	vadd.s32 v2, v1;
	v2 =	vpsel !p6, $0x0, v4;
	v3 =	vadd.s32 v5, v3  }
0x157: {  	v1 =	vadd.s32 v2, v1;
	[tilespmem:s8+$0x0] =	vst v3  }
0x158: {  	s11 =	simm.s32 $0x0;
	[tilespmem:s9+$0x0] =	vst v1  }
0x159: {  	v1 =	vld [tilespmem:s11+$0xB500];
	_ =	sdelay $0x4  }
0x15a: {  	(xrf0) =	vadd.scan.msk.s32 $0xffff, v1;
	_ =	sdelay $0x5  }
0x15b: {  	v8, _, _ =	vpop (xrf0)  }
0x15c: {  	(v2sf) =	vpush v8, $0xF  }
0x15d: {  	s8 =	simm.s32 $0x10  }
0x15e: {  	s10 =	simm.s32 $0x20;
	v1 =	vld [tilespmem:s8+$0xB500]  }
0x15f: {  	v2 =	vld [tilespmem:s10+$0xB500];
	_ =	sdelay $0x3  }
0x160: {  	(xrf0) =	vadd.scan.msk.s32 $0xffff, v1  }
0x161: {  	(xrf0) =	vadd.scan.msk.s32 $0xffff, v2;
	_ =	sdelay $0x4  }
0x162: {  	s9 =	simm.s32 $0x30;
	v6, _, _ =	vpop (xrf0)  }
0x163: {  	v9 =	vld [tilespmem:s9+$0xB500];
	(v2sf) =	vpush v6, $0xF;
	v4, _, _ =	vpop (xrf0)  }
0x164: {  	s12 =	spop (v2sf);
	(v2sf) =	vpush v4, $0xF  }
0x165: {  	v5 =	vld [tilespmem:s11+$0xEB00]  }
0x166: {  	v1 =	vmov s7  }
0x167: {  	v1 =	vsub.s32 $0x18801, v1  }
0x168: {  	s7 =	simm.s32 $0x40;
	v10 =	vbroadcast v1, $0x0;
	(xrf0) =	vadd.scan.msk.s32 $0xffff, v9  }
0x169: {  	v7 =	vld [tilespmem:s7+$0xB500]  }
0x16a: {  	v10 =	vadd.s32 v5, v10;
	v5 =	vld [tilespmem:s7+$0xEB00]  }
0x16b: {  	v3 =	vld [tilespmem:s10+$0xEB00]  }
0x16c: {  	v2 =	vld [tilespmem:s8+$0xEB00]  }
0x16d: {  	s13 =	simm.s32 $0x140;
	v1 =	vld [tilespmem:s9+$0xEB00];
	v8 =	vsub.s32 v10, v8;
	s12 =	sadd.s32 $0x0, s12  }
.LBB2_11:
0x16e: {  	s14 =	sshra.s32 s13, $0x2;
	p0 =	sne.s32 s13, $0xFC0;
	s13 =	sadd.s32 $0x40, s13;
	(xrf0) =	vadd.scan.msk.s32 $0xffff, v7;
	v9, _, _ =	vpop (xrf0);
	v11 =	vmov s12;
	[tilespmem:s11+$0x3100] =	vst v8  }
.Ltmp5:
0x16f: {  	s11 =	smov.u32 s8;
	s8 =	smov.u32 s10;
	v7 =	vld [tilespmem:s14+$0xB500];
	(v2sf) =	vpush v9, $0xF;
	v8 =	vsub.s32 $0x18801, v11;
	v10 =	vmov v5;
	(pc) =	sbr.rel @p0 .LBB2_11-.Ltmp5, $4  }
0x170: {  	s10 =	smov.u32 s9;
	s9 =	smov.u32 s7;
	s7 =	smov.u32 s14;
	v5 =	vld [tilespmem:s14+$0xEB00];
	v8 =	vbroadcast v8, $0x0  }
0x171: {  	_ = 	snop  }
0x172: {  	v8 =	vadd.s32 v2, v8;
	s14 =	spop (v2sf);
	v2 =	vmovc v3;
	v3 =	vmov v1;
	v1 =	vmov v10  }
0x173: {  	v8 =	vsub.s32 v8, v6;
	s12 =	sadd.s32 s12, s14;
	v6 =	vmov v4;
	v4 =	vmov v9  }
0x174: {  	v9, _, _ =	vpop (xrf0)  }
0x175: {  	(v2sf) =	vpush v9, $0xF;
	_ =	sdelay $0xa  }
0x176: {  	v10 =	vmov s12  }
0x177: {  	s13 =	spop (v2sf);
	v10 =	vsub.s32 $0x18801, v10  }
0x178: {  	s28 =	sadd.s32 s12, s13;
	v10 =	vbroadcast v10, $0x0  }
0x179: {  	v11 =	vmov s28;
	s29 =	spop (v2sf)  }
0x17a: {  	(xrf0) =	vadd.scan.msk.s32 $0xffff, v7;
	v7 =	vadd.s32 v2, v10;
	v2 =	vsub.s32 $0x18801, v11;
	s12 =	sadd.s32 s28, s29;
	s30 =	spop (v2sf)  }
0x17b: {  	v11 =	vlaneseq.u32;
	v10 =	vbroadcast v2, $0x0;
	v2 =	vmov s12;
	s12 =	sadd.s32 s12, s30  }
0x17c: {  	v12 =	vsub.s32 $0x18801, v2;
	v2 =	vmul.u32 $0xC4, v11;
	v13 =	vmov s12  }
0x17d: {  	s31 =	simm.s32 $0x1;
	v6 =	vsub.s32 v7, v6;
	v7 =	vbroadcast v12, $0x0;
	v12 =	vsub.s32 $0x18801, v13  }
0x17e: {  	[tilespmem:s11+$0x3100] =	vst v8;
	v3 =	vadd.s32 v3, v10;
	v13 =	vadd.s32 s31, v2;
	v8 =	vbroadcast v12, $0x0  }
0x17f: {  	[tilespmem:s8+$0x3100] =	vst v6;
	v3 =	vsub.s32 v3, v4;
	v1 =	vadd.s32 v1, v7  }
0x180: {  	v6, _, _ =	vpop (xrf0);
	[tilespmem:s10+$0x3100] =	vst v3;
	v1 =	vsub.s32 v1, v9;
	s12 =	simm.s32 $0x2;
	v3 =	vadd.s32 v5, v8  }
0x181: {  	s13 =	simm.s32 $0x3;
	[tilespmem:s9+$0x3100] =	vst v1;
	v7 =	vadd.s32 s12, v2;
	v1 =	vsub.s32 v3, v6  }
0x182: {  	s10 =	simm.s32 $0x15200;
	v9 =	vadd.s32 s13, v2;
	[tilespmem:s7+$0x3100] =	vst v1  }
0x183: {  	s14 =	simm.s32 $0x0;
	v1 =	vld.idx.msk [tilespmem:v13+s10+$0x0], $0xffff  }
0x184: {  	v14 =	vadd.s32 s14, v2;
	_ =	sdelay $0x1  }
0x185: {  	v3 =	vld.idx.msk [tilespmem:v7+s10+$0x0], $0xffff  }
0x186: {  	v8 =	vmul.u32 $0x400, v11;
	v5 =	vld.idx.msk [tilespmem:v9+s10+$0x0], $0xffff  }
0x187: {  	v4 =	vand.u32 $0x3FF, v1  }
0x188: {  	v15 =	vld.idx.msk [tilespmem:v14+s10+$0x0], $0xffff;
	v10 =	vor.u32 v8, v4;
	_ =	sdelay $0x1  }
0x189: {  	v11 =	vand.u32 $0x3FF, v3  }
0x18a: {  	s9 =	simm.s32 $0x3100;
	v16 =	vand.u32 $0x3FF, v5  }
0x18b: {  	s7 =	simm.s32 $0x3500;
	v18 =	vor.u32 v8, v16;
	v4 =	vld.idx.msk [tilespmem:v4+s9+$0x0], $0xffff  }
0x18c: {  	v19 =	vand.u32 $0x3FF, v15;
	v10 =	vld.idx.msk [tilespmem:v10+s7+$0x0], $0xffff  }
0x18d: {  	s15 =	simm.s32 $0x5;
	v12 =	vor.u32 v8, v11  }
0x18e: {  	v17 =	vadd.s32 s15, v2;
	v20 =	vld.idx.msk [tilespmem:v11+s9+$0x0], $0xffff  }
0x18f: {  	v1 =	vshrl.u32 v1, $0xA;
	v16 =	vld.idx.msk [tilespmem:v16+s9+$0x0], $0xffff  }
0x190: {  	s17 =	simm.s32 $0x7;
	v21 =	vor.u32 v8, v19;
	v1 =	vadd.s32 v4, v1;
	v4 =	vld.idx.msk [tilespmem:v18+s7+$0x0], $0xffff  }
0x191: {  	s16 =	simm.s32 $0x6;
	v11 =	vadd.s32 s17, v2;
	v18 =	vld.idx.msk [tilespmem:v19+s9+$0x0], $0xffff;
	v1 =	vadd.s32 v10, v1  }
0x192: {  	v22 =	vld.idx.msk [tilespmem:v12+s7+$0x0], $0xffff;
	v10 =	vadd.s32 s16, v2;
	v1 =	vcvt.s32.f32 v1  }
0x193: {  	s18 =	simm.s32 $0x4;
	v19 =	vld.idx.msk [tilespmem:v17+s10+$0x0], $0xffff  }
0x194: {  	v12 =	vadd.s32 s18, v2;
	(erf) = vrcp.f32 v1  }
0x195: {  	v21 =	vld.idx.msk [tilespmem:v21+s7+$0x0], $0xffff;
	v1 =	vshrl.u32 v3, $0xA;
	v3 =	vshrl.u32 v5, $0xA;
	v5 =	vshrl.u32 v15, $0xA  }
0x196: {  	v1 =	vadd.s32 v20, v1;
	v5 =	vadd.s32 v18, v5;
	v18 =	vld.idx.msk [tilespmem:v11+s10+$0x0], $0xffff  }
0x197: {  	v3 =	vadd.s32 v16, v3;
	v1 =	vadd.s32 v22, v1;
	v20 =	vld.idx.msk [tilespmem:v10+s10+$0x0], $0xffff  }
0x198: {  	v15 =	vand.u32 $0x3FF, v19;
	v3 =	vadd.s32 v4, v3;
	v4 =	vcvt.s32.f32 v1  }
0x199: {  	s19 =	simm.s32 $0xC41;
	v16 =	vor.u32 v8, v15;
	v3 =	vcvt.s32.f32 v3  }
0x19a: {  	v5 =	vadd.s32 v21, v5;
	v21 =	vld.idx.msk [tilespmem:v12+s10+$0x0], $0xffff;
	v1 =	vadd.s32 s19, v2;
	(erf) = vrcp.f32 v4  }
0x19b: {  	(erf) = vrcp.f32 v3;
	v22 =	vand.u32 $0x3FF, v18  }
0x19c: {  	v4 =	vcvt.s32.f32 v5;
	v5 =	vand.u32 $0x3FF, v20  }
0x19d: {  	s8 =	simm.s32 $0x13980;
	v15 =	vld.idx.msk [tilespmem:v15+s9+$0x0], $0xffff;
	v23 =	vor.u32 v8, v22;
	v3 =	vpop (erf)  }
0x19e: {  	(erf) = vrcp.f32 v4;
	v16 =	vld.idx.msk [tilespmem:v16+s7+$0x0], $0xffff;
	[tilespmem:v13+s8+$0x0] =	vst.idx.msk $0xffff, v3;
	v13 =	vor.u32 v8, v5  }
0x19f: {  	s20 =	simm.s32 $0xC42;
	v27 =	vand.u32 $0x3FF, v21;
	v24 =	vld.idx.msk [tilespmem:v1+s10+$0x0], $0xffff  }
0x1a0: {  	s21 =	simm.s32 $0xC43;
	v4 =	vadd.s32 s20, v2;
	v22 =	vld.idx.msk [tilespmem:v22+s9+$0x0], $0xffff  }
0x1a1: {  	v19 =	vshrl.u32 v19, $0xA;
	v3 =	vadd.s32 s21, v2;
	v25 =	vld.idx.msk [tilespmem:v5+s9+$0x0], $0xffff  }
0x1a2: {  	s24 =	simm.s32 $0xA;
	v30 =	vor.u32 v8, v27;
	v15 =	vadd.s32 v15, v19;
	v28 =	vld.idx.msk [tilespmem:v23+s7+$0x0], $0xffff  }
0x1a3: {  	s22 =	simm.s32 $0xC40;
	v15 =	vadd.s32 v16, v15;
	v16 =	vadd.s32 s24, v2;
	v26 =	vld.idx.msk [tilespmem:v13+s7+$0x0], $0xffff;
	v13 =	vpop (erf)  }
0x1a4: {  	s25 =	simm.s32 $0xB;
	v5 =	vadd.s32 s22, v2;
	v27 =	vld.idx.msk [tilespmem:v27+s9+$0x0], $0xffff;
	[tilespmem:v7+s8+$0x0] =	vst.idx.msk $0xffff, v13;
	v7 =	vpop (erf)  }
0x1a5: {  	s23 =	simm.s32 $0x9;
	v19 =	vcvt.s32.f32 v15;
	v15 =	vadd.s32 s25, v2;
	v29 =	vld.idx.msk [tilespmem:v4+s10+$0x0], $0xffff;
	[tilespmem:v9+s8+$0x0] =	vst.idx.msk $0xffff, v7  }
0x1a6: {  	v33 =	vshrl.u32 v21, $0xA;
	v20 =	vshrl.u32 v20, $0xA;
	v13 =	vadd.s32 s23, v2;
	v32 =	vld.idx.msk [tilespmem:v3+s10+$0x0], $0xffff  }
0x1a7: {  	v30 =	vld.idx.msk [tilespmem:v30+s7+$0x0], $0xffff;
	v31 =	vand.u32 $0x3FF, v24;
	(erf) = vrcp.f32 v19;
	v9 =	vpop (erf);
	v7 =	vor.u32 $0x4000, v8  }
0x1a8: {  	s11 =	simm.s32 $0x8;
	v21 =	vadd.s32 v25, v20;
	v20 =	vld.idx.msk [tilespmem:v16+s10+$0x0], $0xffff;
	[tilespmem:v14+s8+$0x0] =	vst.idx.msk $0xffff, v9;
	v9 =	vor.u32 v7, v31  }
0x1a9: {  	v14 =	vadd.s32 s11, v2;
	v34 =	vld.idx.msk [tilespmem:v5+s10+$0x0], $0xffff  }
0x1aa: {  	(v2sf) =	vpush v6, $0xF;
	v26 =	vadd.s32 v26, v21;
	v21 =	vld.idx.msk [tilespmem:v15+s10+$0x0], $0xffff;
	v35 =	vand.u32 $0x3FF, v29  }
0x1ab: {  	s26 =	simm.s32 $0xC45;
	v18 =	vshrl.u32 v18, $0xA;
	v23 =	vld.idx.msk [tilespmem:v13+s10+$0x0], $0xffff;
	v36 =	vand.u32 $0x3FF, v32  }
0x1ac: {  	v6 =	vadd.s32 s26, v2;
	v18 =	vadd.s32 v22, v18;
	v31 =	vld.idx.msk [tilespmem:v31+s9+$0x0], $0xffff;
	v22 =	vor.u32 v7, v35  }
0x1ad: {  	v18 =	vadd.s32 v28, v18;
	v27 =	vadd.s32 v27, v33;
	v26 =	vcvt.s32.f32 v26;
	v9 =	vld.idx.msk [tilespmem:v9+s7+$0x0], $0xffff  }
0x1ae: {  	v24 =	vshrl.u32 v24, $0xA;
	v18 =	vcvt.s32.f32 v18;
	v19 =	vld.idx.msk [tilespmem:v14+s10+$0x0], $0xffff;
	v25 =	vand.u32 $0x3FF, v34  }
0x1af: {  	(erf) = vrcp.f32 v26;
	v26 =	vadd.s32 v30, v27;
	v28 =	vor.u32 v7, v25;
	v35 =	vld.idx.msk [tilespmem:v35+s9+$0x0], $0xffff  }
0x1b0: {  	v62 =	vor.u32 v7, v36;
	v26 =	vcvt.s32.f32 v26;
	v27 =	vpop (erf);
	v37 =	vand.u32 $0x3FF, v23;
	v36 =	vld.idx.msk [tilespmem:v36+s9+$0x0], $0xffff  }
0x1b1: {  	v24 =	vadd.s32 v31, v24;
	[tilespmem:v17+s8+$0x0] =	vst.idx.msk $0xffff, v27;
	v38 =	vor.u32 v8, v37;
	v39 =	vld.idx.msk [tilespmem:v22+s7+$0x0], $0xffff  }
0x1b2: {  	(erf) = vrcp.f32 v18;
	v24 =	vadd.s32 v9, v24;
	v22 =	vld.idx.msk [tilespmem:v6+s10+$0x0], $0xffff  }
0x1b3: {  	(erf) = vrcp.f32 v26;
	v25 =	vld.idx.msk [tilespmem:v25+s9+$0x0], $0xffff;
	v18 =	vcvt.s32.f32 v24;
	v24 =	vand.u32 $0x3FF, v20  }
0x1b4: {  	v17 =	vshrl.u32 v29, $0xA;
	v29 =	vand.u32 $0x3FF, v21;
	v40 =	vld.idx.msk [tilespmem:v28+s7+$0x0], $0xffff;
	v41 =	vor.u32 v8, v24  }
0x1b5: {  	s28 =	simm.s32 $0xC46;
	v30 =	vshrl.u32 v32, $0xA;
	v33 =	vor.u32 v8, v29;
	v27 =	vand.u32 $0x3FF, v19;
	v31 =	vld.idx.msk [tilespmem:v62+s7+$0x0], $0xffff  }
0x1b6: {  	v9 =	vadd.s32 s28, v2;
	v26 =	vor.u32 v8, v27;
	(erf) = vrcp.f32 v18;
	v28 =	vld.idx.msk [tilespmem:v38+s7+$0x0], $0xffff  }
0x1b7: {  	s29 =	simm.s32 $0xC47;
	v18 =	vshrl.u32 v34, $0xA;
	v35 =	vadd.s32 v35, v17;
	v32 =	vadd.s32 v36, v30;
	v30 =	vld.idx.msk [tilespmem:v37+s9+$0x0], $0xffff  }
0x1b8: {  	s30 =	simm.s32 $0xC44;
	v17 =	vadd.s32 s29, v2;
	v35 =	vadd.s32 v39, v35;
	v24 =	vld.idx.msk [tilespmem:v24+s9+$0x0], $0xffff;
	v63 =	vadd.s32 v25, v18  }
0x1b9: {  	s12 =	simm.s32 $0xC;
	s31 =	spop (v2sf);
	v34 =	vpop (erf);
	v18 =	vadd.s32 s30, v2;
	v35 =	vcvt.s32.f32 v35;
	v25 =	vld.idx.msk [tilespmem:v41+s7+$0x0], $0xffff;
	v36 =	vadd.s32 v40, v63  }
.LBB2_13:
0x1ba: {  	s13 =	sadd.s32 $0x1, s12;
	s14 =	sadd.s32 $0x2, s12;
	s15 =	sadd.s32 $0x3, s12;
	v23 =	vshrl.u32 v23, $0xA;
	v33 =	vld.idx.msk [tilespmem:v33+s7+$0x0], $0xffff;
	v37 =	vand.u32 $0x3FF, v22;
	[tilespmem:v10+s8+$0x0] =	vst.idx.msk $0xffff, v34;
	v34 =	vcvt.s32.f32 v36;
	v10 =	vmovc v16  }
0x1bb: {  	p0 =	slt.u32 s12, $0xC0;
	v31 =	vadd.s32 v31, v32;
	v36 =	vadd.s32 s13, v2;
	v16 =	vadd.s32 s14, v2;
	v38 =	vld.idx.msk [tilespmem:v9+s10+$0x0], $0xffff;
	v39 =	vpop (erf);
	s13 =	smov.u32 s12;
	s12 =	sadd.s32 $0x4, s12  }
0x1bc: {  	v32 =	vor.u32 v7, v37;
	v40 =	vcvt.s32.f32 v31;
	v29 =	vld.idx.msk [tilespmem:v29+s9+$0x0], $0xffff;
	[tilespmem:v11+s8+$0x0] =	vst.idx.msk $0xffff, v39;
	v11 =	vpop (erf);
	(erf) = vrcp.f32 v35  }
0x1bd: {  	v35 =	vadd.s32 s15, v2;
	v23 =	vadd.s32 v30, v23;
	[tilespmem:v12+s8+$0x0] =	vst.idx.msk $0xffff, v11;
	v30 =	vld.idx.msk [tilespmem:v17+s10+$0x0], $0xffff;
	(erf) = vrcp.f32 v34  }
0x1be: {  	v34 =	vadd.s32 s13, v2;
	v23 =	vadd.s32 v28, v23;
	v11 =	vmovc v15;
	v15 =	vmovc v35;
	v39 =	vld.idx.msk [tilespmem:v18+s10+$0x0], $0xffff;
	(erf) = vrcp.f32 v40  }
0x1bf: {  	s14 =	sadd.s32 $0xC41, s11;
	v12 =	vmov v14;
	v28 =	vcvt.s32.f32 v23;
	v14 =	vmov v34;
	v27 =	vld.idx.msk [tilespmem:v27+s9+$0x0], $0xffff;
	v31 =	vpop (erf)  }
0x1c0: {  	v34 =	vshrl.u32 v19, $0xA;
	v23 =	vld.idx.msk [tilespmem:v36+s10+$0x0], $0xffff;
	[tilespmem:v1+s8+$0x0] =	vst.idx.msk $0xffff, v31;
	v1 =	vmov v6;
	v6 =	vadd.s32 s14, v2  }
0x1c1: {  	v20 =	vshrl.u32 v20, $0xA;
	v19 =	vshrl.u32 v21, $0xA;
	v26 =	vld.idx.msk [tilespmem:v26+s7+$0x0], $0xffff;
	(erf) = vrcp.f32 v28  }
0x1c2: {  	v22 =	vshrl.u32 v22, $0xA;
	v19 =	vadd.s32 v29, v19;
	v29 =	vand.u32 $0x3FF, v38;
	v28 =	vld.idx.msk [tilespmem:v37+s9+$0x0], $0xffff  }
0x1c3: {  	v21 =	vadd.s32 v33, v19;
	v33 =	vand.u32 $0x3FF, v30;
	v31 =	vld.idx.msk [tilespmem:v32+s7+$0x0], $0xffff;
	v32 =	vor.u32 v7, v29  }
0x1c4: {  	v24 =	vadd.s32 v24, v20;
	v35 =	vcvt.s32.f32 v21;
	v37 =	vand.u32 $0x3FF, v39;
	v19 =	vld.idx.msk [tilespmem:v14+s10+$0x0], $0xffff  }
0x1c5: {  	v24 =	vadd.s32 v25, v24;
	v27 =	vadd.s32 v27, v34;
	v25 =	vor.u32 v7, v37;
	v20 =	vld.idx.msk [tilespmem:v16+s10+$0x0], $0xffff;
	v34 =	vpop (erf)  }
0x1c6: {  	v24 =	vcvt.s32.f32 v24;
	v41 =	vor.u32 v7, v33;
	v40 =	vand.u32 $0x3FF, v23;
	v21 =	vld.idx.msk [tilespmem:v15+s10+$0x0], $0xffff;
	[tilespmem:v4+s8+$0x0] =	vst.idx.msk $0xffff, v34;
	v4 =	vpop (erf)  }
0x1c7: {  	v34 =	vor.u32 v8, v40;
	v26 =	vadd.s32 v26, v27;
	v42 =	vld.idx.msk [tilespmem:v29+s9+$0x0], $0xffff;
	[tilespmem:v5+s8+$0x0] =	vst.idx.msk $0xffff, v4;
	v4 =	vpop (erf)  }
0x1c8: {  	v26 =	vcvt.s32.f32 v26;
	v27 =	vadd.s32 v28, v22;
	(erf) = vrcp.f32 v24;
	v24 =	vld.idx.msk [tilespmem:v33+s9+$0x0], $0xffff;
	[tilespmem:v3+s8+$0x0] =	vst.idx.msk $0xffff, v4  }
0x1c9: {  	s14 =	sadd.s32 $0xC42, s11;
	v5 =	vmovc v18;
	v22 =	vadd.s32 v31, v27;
	v4 =	vmov v9;
	v3 =	vmov v17;
	v37 =	vld.idx.msk [tilespmem:v37+s9+$0x0], $0xffff  }
0x1ca: {  	v9 =	vadd.s32 s14, v2;
	v18 =	vcvt.s32.f32 v22;
	v17 =	vpop (erf);
	(erf) = vrcp.f32 v35;
	v35 =	vld.idx.msk [tilespmem:v32+s7+$0x0], $0xffff  }
0x1cb: {  	v43 =	vand.u32 $0x3FF, v20;
	[tilespmem:v13+s8+$0x0] =	vst.idx.msk $0xffff, v17;
	(erf) = vrcp.f32 v26;
	v44 =	vld.idx.msk [tilespmem:v25+s7+$0x0], $0xffff;
	v17 =	vshrl.u32 v38, $0xA;
	v13 =	vmovc v36  }
0x1cc: {  	v30 =	vshrl.u32 v30, $0xA;
	v25 =	vor.u32 v8, v43;
	v29 =	vand.u32 $0x3FF, v21;
	v22 =	vld.idx.msk [tilespmem:v6+s10+$0x0], $0xffff  }
.Ltmp6:
0x1cd: {  	v27 =	vand.u32 $0x3FF, v19;
	v33 =	vor.u32 v8, v29;
	v36 =	vadd.s32 v42, v17;
	v31 =	vld.idx.msk [tilespmem:v41+s7+$0x0], $0xffff;
	(pc) =	sbr.rel @p0 .LBB2_13-.Ltmp6, $4  }
0x1ce: {  	v26 =	vor.u32 v8, v27;
	v32 =	vadd.s32 v24, v30;
	v28 =	vld.idx.msk [tilespmem:v34+s7+$0x0], $0xffff;
	(erf) = vrcp.f32 v18  }
0x1cf: {  	s14 =	sadd.s32 $0xC43, s11;
	v18 =	vshrl.u32 v39, $0xA;
	v30 =	vld.idx.msk [tilespmem:v40+s9+$0x0], $0xffff  }
0x1d0: {  	s15 =	sadd.s32 $0xC40, s11;
	s11 =	smov.u32 s13;
	v17 =	vadd.s32 s14, v2;
	v37 =	vadd.s32 v37, v18;
	v35 =	vadd.s32 v35, v36;
	v24 =	vld.idx.msk [tilespmem:v43+s9+$0x0], $0xffff  }
0x1d1: {  	v18 =	vadd.s32 s15, v2;
	v36 =	vadd.s32 v44, v37;
	v35 =	vcvt.s32.f32 v35;
	v25 =	vld.idx.msk [tilespmem:v25+s7+$0x0], $0xffff;
	v34 =	vpop (erf)  }
0x1d2: {  	_ =	sdelay $0x3  }
0x1d3: {  	v8 =	vld.idx.msk [tilespmem:v33+s7+$0x0], $0xffff  }
0x1d4: {  	v23 =	vshrl.u32 v23, $0xA;
	v36 =	vcvt.s32.f32 v36;
	v31 =	vadd.s32 v31, v32;
	v29 =	vld.idx.msk [tilespmem:v29+s9+$0x0], $0xffff  }
0x1d5: {  	v27 =	vld.idx.msk [tilespmem:v27+s9+$0x0], $0xffff;
	v20 =	vshrl.u32 v20, $0xA;
	v19 =	vshrl.u32 v19, $0xA;
	v23 =	vadd.s32 v30, v23  }
0x1d6: {  	v26 =	vld.idx.msk [tilespmem:v26+s7+$0x0], $0xffff;
	v31 =	vcvt.s32.f32 v31;
	(erf) = vrcp.f32 v35;
	v23 =	vadd.s32 v28, v23  }
0x1d7: {  	(erf) = vrcp.f32 v36;
	v20 =	vadd.s32 v24, v20;
	v23 =	vcvt.s32.f32 v23  }
0x1d8: {  	v21 =	vshrl.u32 v21, $0xA;
	(erf) = vrcp.f32 v31;
	v20 =	vadd.s32 v25, v20  }
0x1d9: {  	v21 =	vadd.s32 v29, v21;
	v20 =	vcvt.s32.f32 v20;
	(erf) = vrcp.f32 v23  }
0x1da: {  	[tilespmem:v10+s8+$0x0] =	vst.idx.msk $0xffff, v34;
	v19 =	vadd.s32 v27, v19;
	v8 =	vadd.s32 v8, v21  }
0x1db: {  	v38 =	vld.idx.msk [tilespmem:v9+s10+$0x0], $0xffff;
	v37 =	vadd.s32 v26, v19;
	v8 =	vcvt.s32.f32 v8;
	(erf) = vrcp.f32 v20  }
0x1dc: {  	v39 =	vpop (erf);
	v10 =	vcvt.s32.f32 v37  }
0x1dd: {  	v40 =	vand.u32 $0x3FF, v22;
	v41 =	vpop (erf);
	(erf) = vrcp.f32 v8  }
0x1de: {  	s12 =	sadd.s32 $0xC41, s11;
	v42 =	vor.u32 v7, v40;
	[tilespmem:v11+s8+$0x0] =	vst.idx.msk $0xffff, v39;
	v11 =	vpop (erf);
	(erf) = vrcp.f32 v10  }
0x1df: {  	[tilespmem:v12+s8+$0x0] =	vst.idx.msk $0xffff, v41;
	v20 =	vadd.s32 s12, v2;
	v21 =	vpop (erf)  }
0x1e0: {  	s28 =	sadd.s32 $0xC42, s11;
	v44 =	vld.idx.msk [tilespmem:v18+s10+$0x0], $0xffff;
	v45 =	vand.u32 $0x3FF, v38;
	v25 =	vpop (erf)  }
0x1e1: {  	v43 =	vld.idx.msk [tilespmem:v17+s10+$0x0], $0xffff;
	v27 =	vadd.s32 s28, v2;
	v26 =	vpop (erf)  }
0x1e2: {  	s29 =	sadd.s32 $0xC43, s11;
	v24 =	vor.u32 v7, v45;
	v8 =	vld.idx.msk [tilespmem:v40+s9+$0x0], $0xffff;
	v46 =	vpop (erf)  }
0x1e3: {  	s30 =	sadd.s32 $0xC40, s11;
	v29 =	vadd.s32 s29, v2;
	v10 =	vld.idx.msk [tilespmem:v42+s7+$0x0], $0xffff;
	[tilespmem:v13+s8+$0x0] =	vst.idx.msk $0xffff, v46  }
0x1e4: {  	v2 =	vadd.s32 s30, v2;
	v48 =	vpop (erf);
	v28 =	vld.idx.msk [tilespmem:v20+s10+$0x0], $0xffff  }
0x1e5: {  	v49 =	vand.u32 $0x3FF, v44;
	v50 =	vld.idx.msk [tilespmem:v45+s9+$0x0], $0xffff;
	[tilespmem:v16+s8+$0x0] =	vst.idx.msk $0xffff, v48  }
0x1e6: {  	v53 =	vor.u32 v7, v49;
	v51 =	vpop (erf);
	v30 =	vld.idx.msk [tilespmem:v27+s10+$0x0], $0xffff  }
0x1e7: {  	v47 =	vand.u32 $0x3FF, v43;
	v59 =	vld.idx.msk [tilespmem:v24+s7+$0x0], $0xffff;
	[tilespmem:v15+s8+$0x0] =	vst.idx.msk $0xffff, v51;
	v52 =	vpop (erf)  }
0x1e8: {  	v54 =	vor.u32 v7, v47;
	[tilespmem:v14+s8+$0x0] =	vst.idx.msk $0xffff, v52;
	v14 =	vld.idx.msk [tilespmem:v29+s10+$0x0], $0xffff  }
0x1e9: {  	v55 =	vld.idx.msk [tilespmem:v2+s10+$0x0], $0xffff;
	v56 =	vand.u32 $0x3FF, v28  }
0x1ea: {  	v0 =	vxor.u32 $0x80000000, v0;
	v31 =	vld.idx.msk [tilespmem:v49+s9+$0x0], $0xffff;
	v58 =	vor.u32 v7, v56  }
0x1eb: {  	(xrf0) =	vmax.scan.msk.u32 $0xffff, v0;
	v61 =	vld.idx.msk [tilespmem:v53+s7+$0x0], $0xffff;
	v60 =	vand.u32 $0x3FF, v30  }
0x1ec: {  	v13 =	vld.idx.msk [tilespmem:v47+s9+$0x0], $0xffff;
	v41 =	vor.u32 v7, v60  }
0x1ed: {  	v57 =	vshrl.u32 v22, $0xA;
	v15 =	vld.idx.msk [tilespmem:v54+s7+$0x0], $0xffff;
	v62 =	vand.u32 $0x3FF, v14  }
0x1ee: {  	v19 =	vshrl.u32 v38, $0xA;
	v12 =	vshrl.u32 v43, $0xA;
	v63 =	vand.u32 $0x3FF, v55;
	v40 =	vld.idx.msk [tilespmem:v56+s9+$0x0], $0xffff  }
0x1ef: {  	v23 =	vshrl.u32 v44, $0xA;
	v8 =	vadd.s32 v8, v57;
	v42 =	vor.u32 v7, v63;
	v35 =	vld.idx.msk [tilespmem:v58+s7+$0x0], $0xffff  }
0x1f0: {  	v8 =	vadd.s32 v10, v8;
	v19 =	vadd.s32 v50, v19;
	v43 =	vor.u32 v7, v62;
	v44 =	vld.idx.msk [tilespmem:v60+s9+$0x0], $0xffff  }
0x1f1: {  	v8 =	vcvt.s32.f32 v8;
	v19 =	vadd.s32 v59, v19;
	v23 =	vadd.s32 v31, v23;
	v51, _, _ =	vpop (xrf0);
	v49 =	vld.idx.msk [tilespmem:v41+s7+$0x0], $0xffff  }
0x1f2: {  	v45 =	vcvt.s32.f32 v19;
	v10 =	vadd.s32 v61, v23;
	(v2sf) =	vpush v51, $0xF;
	v16 =	vld.idx.msk [tilespmem:v62+s9+$0x0], $0xffff  }
0x1f3: {  	(erf) = vrcp.f32 v8;
	v12 =	vadd.s32 v13, v12;
	v46 =	vcvt.s32.f32 v10;
	v48 =	vld.idx.msk [tilespmem:v63+s9+$0x0], $0xffff  }
0x1f4: {  	(erf) = vrcp.f32 v45;
	v50 =	vshrl.u32 v28, $0xA;
	v47 =	vadd.s32 v15, v12;
	v0 =	vld.idx.msk [tilespmem:v42+s7+$0x0], $0xffff  }
0x1f5: {  	(erf) = vrcp.f32 v46;
	v52 =	vshrl.u32 v30, $0xA;
	v10 =	vcvt.s32.f32 v47;
	v7 =	vld.idx.msk [tilespmem:v43+s7+$0x0], $0xffff  }
0x1f6: {  	v14 =	vshrl.u32 v14, $0xA;
	v54 =	vshrl.u32 v55, $0xA;
	v8 =	vadd.s32 v40, v50  }
0x1f7: {  	(erf) = vrcp.f32 v10;
	v8 =	vadd.s32 v35, v8;
	v53 =	vadd.s32 v44, v52  }
0x1f8: {  	v8 =	vcvt.s32.f32 v8;
	v10 =	vadd.s32 v49, v53;
	v12 =	vadd.s32 v48, v54  }
0x1f9: {  	v55 =	vadd.s32 v16, v14;
	v10 =	vcvt.s32.f32 v10;
	v0 =	vadd.s32 v0, v12  }
0x1fa: {  	(erf) = vrcp.f32 v8;
	v7 =	vadd.s32 v7, v55;
	v0 =	vcvt.s32.f32 v0  }
0x1fb: {  	v7 =	vcvt.s32.f32 v7;
	(erf) = vrcp.f32 v10  }
0x1fc: {  	[tilespmem:v1+s8+$0x0] =	vst.idx.msk $0xffff, v11;
	(erf) = vrcp.f32 v0  }
0x1fd: {  	[tilespmem:v4+s8+$0x0] =	vst.idx.msk $0xffff, v21;
	(erf) = vrcp.f32 v7  }
0x1fe: {  	[tilespmem:v5+s8+$0x0] =	vst.idx.msk $0xffff, v25  }
0x1ff: {  	[tilespmem:v3+s8+$0x0] =	vst.idx.msk $0xffff, v26;
	v56 =	vpop (erf)  }
0x200: {  	[tilespmem:v6+s8+$0x0] =	vst.idx.msk $0xffff, v56;
	v57 =	vpop (erf)  }
0x201: {  	[tilespmem:v9+s8+$0x0] =	vst.idx.msk $0xffff, v57;
	v58 =	vpop (erf);
	s31 =	spop (v2sf)  }
0x202: {  	[tilespmem:v18+s8+$0x0] =	vst.idx.msk $0xffff, v58;
	v59 =	vpop (erf);
	p0 =	slt.u32 s31, $0x80000400  }
.Ltmp7:
0x203: {  	[tilespmem:v17+s8+$0x0] =	vst.idx.msk $0xffff, v59;
	v60 =	vpop (erf);
	(pc) =	sbr.rel @p0 .LBB2_26-.Ltmp7, $4  }
0x204: {  	[tilespmem:v20+s8+$0x0] =	vst.idx.msk $0xffff, v60;
	v61 =	vpop (erf)  }
0x205: {  	[tilespmem:v27+s8+$0x0] =	vst.idx.msk $0xffff, v61;
	v62 =	vpop (erf)  }
0x206: {  	[tilespmem:v2+s8+$0x0] =	vst.idx.msk $0xffff, v62;
	v63 =	vpop (erf)  }
0x207: {  	s5 =	sadd.s32 s6, s5;
	s7 =	sadd.s32 s4, s2;
	[tilespmem:v29+s8+$0x0] =	vst.idx.msk $0xffff, v63  }
.Ltmp8:
0x208: {  	(pc) =	sbr.rel .LBB2_16-.Ltmp8, $3  }
0x209: {  	_ =	sdelay $0x1  }
0x20a: {  	s6 =	simm.s32 $0x0;
	v0 =	vlaneseq.u32;
	s8 =	simm.s32 $0x1880  }
0x20b: {  	v2 =	vimm.s32 $0x0;
	s9 =	simm.s32 $0x15200;
	s10 =	simm.s32 $0x3;
	s11 =	simm.s32 $0x13980;
	v1 =	vmul.u32 $0x188, v0  }
.LBB2_25:
0x20c: {  	s6 =	sadd.s32 $0x1, s6  }
0x20d: {  	p0 =	sne.s32 s6, $0x188  }
.Ltmp9:
0x20e: {  	_ = 	snop;
	(pc) =	sbr.rel @!p0 .LBB2_26-.Ltmp9, $1  }
0x20f: {  	_ =	sdelay $0x3  }
.LBB2_16:
0x210: {  	_ = 	snop  }
0x211: {  	v3 =	vadd.s32 s6, v1;
	_ =	sdelay $0x4  }
0x212: {  	v3 =	vld.idx.msk [tilespmem:v3+s8+$0x0], $0xffff;
	_ =	sdelay $0x4  }
0x213: {  	vm0 =	vgt.s32 v3, $0x3FF  }
0x214: {  	v4 =	vsel vm0, $0x1, v2  }
0x215: {  	(xrf0) =	vadd.scan.msk.s32 $0xffff, v4;
	_ =	sdelay $0x5  }
0x216: {  	v4, _, _ =	vpop (xrf0)  }
0x217: {  	(v2sf) =	vpush v4, $0xF;
	_ =	sdelay $0xe  }
0x218: {  	s12 =	spop (v2sf)  }
0x219: {  	p0 =	slt.s32 s12, $0x1  }
.Ltmp10:
0x21a: {  	_ = 	snop;
	(pc) =	sbr.rel @p0 .LBB2_25-.Ltmp10, $1  }
0x21b: {  	_ =	sdelay $0x3  }
.Ltmp11:
0x21c: {  	(pc) =	sbr.rel .LBB2_18-.Ltmp11, $2  }
0x21d: {  	_ =	sdelay $0x2  }
0x21e: {  	s12 =	sadd.s32 s4, s6;
	s13 =	simm.s32 $0x0  }
.LBB2_24:
0x21f: {  	s13 =	sadd.s32 $0x1, s13  }
0x220: {  	p0 =	sne.s32 s13, $0x10  }
.Ltmp12:
0x221: {  	_ = 	snop;
	(pc) =	sbr.rel @!p0 .LBB2_25-.Ltmp12, $1  }
0x222: {  	_ =	sdelay $0x3  }
.LBB2_18:
0x223: {  	v4 =	vmov s13  }
0x224: {  	vm0 =	veq.s32 v4, v0  }
0x225: {  	v4 =	vnsel vm0, $0x0, v3  }
0x226: {  	(xrf0) =	vadd.scan.msk.s32 $0xffff, v4;
	_ =	sdelay $0x5  }
0x227: {  	v4, _, _ =	vpop (xrf0)  }
0x228: {  	(v2sf) =	vpush v4, $0xF;
	_ =	sdelay $0xe  }
0x229: {  	s14 =	spop (v2sf)  }
0x22a: {  	p0 =	slt.s32 s14, $0x400  }
.Ltmp13:
0x22b: {  	_ = 	snop;
	(pc) =	sbr.rel @p0 .LBB2_24-.Ltmp13, $1  }
0x22c: {  	_ =	sdelay $0x3  }
0x22d: {  	s14 =	smul.u32 $0x188, s13;
	_ =	sdelay $0x1  }
0x22e: {  	s15 =	sadd.s32 s14, s12  }
0x22f: {  	v4 =	vbroadcast v4, $0xF;
	s17 =	simm.s32 $0x0;
	s16 =	simm.s32 $0x0;
	v5 =	vmov s15;
	s15 =	simm.s32 $0x0  }
.LBB2_20:
0x230: {  	s18 =	smul.u32 $0x1880, s16;
	_ =	sdelay $0x1  }
0x231: {  	s18 =	sadd.s32 s18, s3  }
0x232: {  	[tilespmem:s9], [sflag:$0x3] =	stream.linear.gather [spmem:s18], $0x1880, $0x38;
	[tilespmem:$0x1E480] =	vst v63  }
0x233: {  	_ =	swait.ge [sflag:s10], $0x1880  }
0x234: {  	[sflag:s10] =	ssyncset.done $0x0  }
0x235: {  	s25 =	simm.s32 $0x0;
	[sflag:s10] =	ssyncadd.s32 $0xFFFFE780  }
0x236: {  	v6 =	vld [tilespmem:s25+$0x15200]  }
0x237: {  	s26 =	simm.s32 $0x10  }
0x238: {  	v7 =	vld [tilespmem:s26+$0x15200]  }
0x239: {  	v8 =	vor.u32 s15, v0  }
0x23a: {  	s28 =	simm.s32 $0x20;
	s19 =	sadd.s32 $0x10, s15;
	vm1 =	vlt.u32 v8, v5  }
0x23b: {  	v9 =	vor.u32 s19, v0;
	vm0 =	veq.s32 v6, v4;
	vm2 =	vgt.s32 v6, v4;
	v6 =	vld [tilespmem:s28+$0x15200]  }
0x23c: {  	vm9 =	vlt.u32 v9, v5;
	vm0 =	vmand vm1, vm0;
	v8 =	vsel vm2, $0x1, v2  }
0x23d: {  	vm7 =	vgt.s32 v7, v4;
	vm8 =	veq.s32 v7, v4;
	(xrf0) =	vadd.scan.msk.s32 $0xffff, v8;
	v7 =	vsel vm0, $0x1, v2  }
0x23e: {  	s29 =	sadd.s32 $0x10, s19;
	vm0 =	vmand vm9, vm8;
	(xrf0) =	vadd.scan.msk.s32 $0xffff, v7;
	v7 =	vsel vm7, $0x1, v2  }
0x23f: {  	v8 =	vsel vm0, $0x1, v2;
	(xrf0) =	vadd.scan.msk.s32 $0xffff, v7;
	v7 =	vor.u32 s29, v0  }
0x240: {  	vm10 =	vgt.s32 v6, v4;
	vm11 =	veq.s32 v6, v4;
	vm12 =	vlt.u32 v7, v5  }
0x241: {  	(xrf0) =	vadd.scan.msk.s32 $0xffff, v8;
	vm1 =	vmand vm12, vm11;
	v6 =	vsel vm10, $0x1, v2  }
0x242: {  	s30 =	simm.s32 $0x30;
	v8 =	vsel vm1, $0x1, v2;
	(xrf0) =	vadd.scan.msk.s32 $0xffff, v6  }
0x243: {  	v7 =	vld [tilespmem:s30+$0x15200];
	(xrf0) =	vadd.scan.msk.s32 $0xffff, v8  }
0x244: {  	v6, _, _ =	vpop (xrf0)  }
0x245: {  	v8, _, _ =	vpop (xrf0);
	(v2sf) =	vpush v6, $0xF  }
0x246: {  	v6, _, _ =	vpop (xrf0);
	(v2sf) =	vpush v8, $0xF  }
0x247: {  	(v2sf) =	vpush v6, $0xF;
	v8, _, _ =	vpop (xrf0)  }
0x248: {  	vm13 =	vgt.s32 v7, v4;
	vm14 =	veq.s32 v7, v4;
	(v2sf) =	vpush v8, $0xF;
	v7, _, _ =	vpop (xrf0)  }
0x249: {  	(v2sf) =	vpush v7, $0xF;
	v7, _, _ =	vpop (xrf0)  }
0x24a: {  	(v2sf) =	vpush v7, $0xF;
	_ =	sdelay $0x2  }
0x24b: {  	s31 =	sadd.s32 $0x10, s29  }
0x24c: {  	v6 =	vor.u32 s31, v0  }
0x24d: {  	s20 =	simm.s32 $0x40;
	vm15 =	vlt.u32 v6, v5;
	v6 =	vsel vm13, $0x1, v2  }
0x24e: {  	vm1 =	vmand vm15, vm14;
	(xrf0) =	vadd.scan.msk.s32 $0xffff, v6;
	v6 =	vld [tilespmem:s20+$0x15200]  }
0x24f: {  	v8 =	vsel vm1, $0x1, v2  }
0x250: {  	(xrf0) =	vadd.scan.msk.s32 $0xffff, v8  }
0x251: {  	s18 =	simm.s32 $0x140;
	s19 =	sadd.s32 $0x10, s31  }
.LBB2_21:
0x252: {  	s20 =	sshra.s32 s18, $0x2;
	v7 =	vor.u32 s19, v0;
	p0 =	sne.s32 s18, $0x61C0  }
.Ltmp14:
0x253: {  	s18 =	sadd.s32 $0x40, s18;
	vm0 =	vgt.s32 v6, v4;
	vm1 =	veq.s32 v6, v4;
	vm2 =	vlt.u32 v7, v5;
	s21 =	spop (v2sf);
	(pc) =	sbr.rel @p0 .LBB2_21-.Ltmp14, $4  }
0x254: {  	v6 =	vld [tilespmem:s20+$0x15200];
	vm1 =	vmand vm2, vm1;
	v9 =	vsel vm0, $0x1, v2;
	s17 =	sadd.s32 s17, s21;
	s20 =	spop (v2sf)  }
0x255: {  	v8 =	vsel vm1, $0x1, v2;
	(xrf0) =	vadd.scan.msk.s32 $0xffff, v9;
	v7, _, _ =	vpop (xrf0);
	s17 =	sadd.s32 s20, s17  }
0x256: {  	(xrf0) =	vadd.scan.msk.s32 $0xffff, v8;
	(v2sf) =	vpush v7, $0xF;
	v7, _, _ =	vpop (xrf0)  }
0x257: {  	s19 =	sadd.s32 $0x10, s19;
	(v2sf) =	vpush v7, $0xF  }
0x258: {  	v7 =	vor.u32 s19, v0  }
0x259: {  	vm0 =	vgt.s32 v6, v4;
	vm1 =	veq.s32 v6, v4;
	vm2 =	vlt.u32 v7, v5  }
0x25a: {  	vm1 =	vmand vm2, vm1;
	v6 =	vsel vm0, $0x1, v2  }
0x25b: {  	v7 =	vsel vm1, $0x1, v2;
	(xrf0) =	vadd.scan.msk.s32 $0xffff, v6  }
0x25c: {  	(xrf0) =	vadd.scan.msk.s32 $0xffff, v7;
	_ =	sdelay $0x2  }
0x25d: {  	v6, _, _ =	vpop (xrf0)  }
0x25e: {  	(v2sf) =	vpush v6, $0xF;
	v6, _, _ =	vpop (xrf0)  }
0x25f: {  	(v2sf) =	vpush v6, $0xF;
	v6, _, _ =	vpop (xrf0)  }
0x260: {  	(v2sf) =	vpush v6, $0xF;
	v6, _, _ =	vpop (xrf0)  }
0x261: {  	(v2sf) =	vpush v6, $0xF;
	_ =	sdelay $0x5  }
0x262: {  	s18 =	spop (v2sf)  }
0x263: {  	s17 =	sadd.s32 s17, s18;
	s22 =	spop (v2sf)  }
0x264: {  	s17 =	sadd.s32 s22, s17;
	s23 =	spop (v2sf)  }
0x265: {  	s17 =	sadd.s32 s17, s23;
	s24 =	spop (v2sf)  }
0x266: {  	s16 =	sadd.s32 $0x1, s16;
	s17 =	sadd.s32 s24, s17;
	s25 =	spop (v2sf)  }
0x267: {  	p0 =	sne.s32 s16, $0x10;
	s17 =	sadd.s32 s17, s25;
	s26 =	spop (v2sf)  }
.Ltmp15:
0x268: {  	s17 =	sadd.s32 s26, s17;
	s28 =	spop (v2sf);
	(pc) =	sbr.rel @p0 .LBB2_20-.Ltmp15, $4  }
0x269: {  	s17 =	sadd.s32 s17, s28;
	s29 =	spop (v2sf)  }
0x26a: {  	s17 =	sadd.s32 s29, s17;
	s30 =	spop (v2sf)  }
0x26b: {  	s17 =	sadd.s32 s17, s30;
	s31 =	spop (v2sf)  }
0x26c: {  	s15 =	sadd.s32 $0x1880, s15;
	s17 =	sadd.s32 s31, s17  }
0x26d: {  	s15 =	sadd.s32 $0x1, s17  }
0x26e: {  	s15 =	scvt.s32.f32 s15;
	_ =	sdelay $0x1  }
0x26f: {  	v4 =	vmov s15  }
0x270: {  	(erf) = vrcp.f32 v4;
	_ =	sdelay $0x3  }
0x271: {  	s14 =	sadd.s32 s6, s14  }
0x272: {  	v4 =	vmov s14  }
.Ltmp16:
0x273: {  	_ = 	snop;
	(pc) =	sbr.rel .LBB2_24-.Ltmp16, $3  }
0x274: {  	_ =	sdelay $0x1  }
0x275: {  	v5 =	vpop (erf)  }
0x276: {  	[tilespmem:v4+s11+$0x0] =	vst.idx.msk $0x1, v5  }
.LBB2_26:
0x277: {  	s3 =	simm.s32 $0x13980;
	s26 =	simm.s32 $0x3  }
0x278: {  	[spmem:s7] =	stream.linear.scatter [tilespmem:s3], [sflag:$0x3], $0x1880, $0x38;
	[tilespmem:$0x1E480] =	vst v63  }
0x279: {  	_ =	swait.ge [sflag:s26], $0x1880  }
0x27a: {  	[sflag:s26] =	ssyncset.done $0x0  }
0x27b: {  	[sflag:s26] =	ssyncadd.s32 $0xFFFFE780  }
0x27c: {  	s4 =	simm.s32 $0x1;
	[bflag:$0x0] =	sbarrier.arrive $0xFFFF  }
0x27d: {  	_ =	swait.ge [sflag:s4], $0x1900  }
0x27e: {  	s6 =	simm.s32 $0xC80;
	[sflag:s4] =	ssyncset.done $0x0  }
0x27f: {  	s28 =	simm.s32 $0xEF00;
	s8 =	simm.s32 $0x10800;
	[sflag:s4] =	ssyncadd.s32 $0xFFFFE700  }
0x280: {  	[tilespmem:s8], [sflag:$0x1] =	stream.indirect.gather [spmem:s2], $0x1, s28, s6, $0xb8;
	[tilespmem:$0x1E480] =	vst v63  }
0x281: {  	s29 =	simm.s32 $0xFB80;
	s9 =	simm.s32 $0x11480  }
0x282: {  	[tilespmem:s9], [sflag:$0x2] =	stream.indirect.gather [spmem:s2], $0x1, s29, s6, $0xb8;
	[tilespmem:$0x1E480] =	vst v63  }
0x283: {  	_ =	swait.ge [sflag:s4], $0xC80  }
0x284: {  	[sflag:s4] =	ssyncset.done $0x0  }
0x285: {  	s30 =	simm.s32 $0x2;
	[sflag:s4] =	ssyncadd.s32 $0xFFFFF380  }
0x286: {  	_ =	swait.ge [sflag:s30], $0xC80  }
0x287: {  	[sflag:s30] =	ssyncset.done $0x0  }
0x288: {  	s31 =	simm.s32 $0x0;
	[sflag:s30] =	ssyncadd.s32 $0xFFFFF380  }
0x289: {  	[hbm4b:s5+s31] =	stream.linear.scatter [tilespmem:s8], [sflag:$0x3], $0x1900, $0x38;
	[tilespmem:$0x1E480] =	vst v63  }
0x28a: {  	_ =	swait.ge [sflag:s26], $0x1900  }
0x28b: {  	[sflag:s26] =	ssyncset.done $0x0  }
0x28c: {  	[sflag:s26] =	ssyncadd.s32 $0xFFFFE700  }
0x28d: {  	_ =	sfence.sel $0x180000  }
0x28e: {  	[bflag:$0x0] =	sbarrier.arrive $0xFFFF  }
0x28f: {  	p0 =	sne.s32 s1, $0x0;
	_ =	strace $0x90000047  }
0x290: {  	s0 =	sadd.s32 @!p0 $0x100000, s0;
	[bflag:$0x2] =	sbarrier.arrive $0xFFFF  }
0x291: {  	[sflag:s0] =	ssyncadd.tile.s32 @!p0 $0x1;
	_ =	shalt  }
.Lfunc_end2:
_tile_overlayer_lowered:
.L_overlay_start_2:
0x292: {  	(tag) =	ssettag $0x2  }
0x293: {  	s0 =	rddreg [dreg:$0x0];
	s2 =	stileid.u32  }
0x294: {  	s1 =	rddreg [dreg:$0x1];
	p0 =	sne.s32 s2, $0x0  }
0x295: {  	s3 =	rddreg [dreg:$0x2];
	[bflag:$0x3] =	sbarrier.arrive $0xFFFF;
	s2 =	simm.s32 @!p0 $0x1C03  }
0x296: {  	[timem:s3], [sflag:s2] =	dma.local @!p0 [hbm:s0], s1  }
0x297: {  	s0 =	simm.s32 @!p0 $0x3  }
0x298: {  	_ =	swait.ge @!p0 [sflag:s0], s1  }
0x299: {  	s1 =	ssub.s32 @!p0 $0x0, s1;
	[sflag:s0] =	ssyncset.done @!p0 $0x0  }
0x29a: {  	[sflag:s0] =	ssyncadd.s32 @!p0 s1  }
0x29b: {  	[bflag:$0x3] =	sbarrier.arrive $0xFFFF  }
0x29c: {  	_ =	shalt  }

</sc_bundles>
